<compile_context>
chip_gen: v7x
topology: tpu7x:2x2x1
jax: 0.10.2.dev20260603
libtpu: 0.0.44.dev20260713+nightly
codegen_flags: <defaults>
</compile_context>

<pallas_src>
import functools

import jax
import jax.numpy as jnp
from jax import lax
from jax.experimental import pallas as pl
from jax.experimental.pallas import tpu as pltpu
from jax.experimental.pallas import tpu_sc as plsc

B = 4096
D = 128
NH = 50
NWI = 20
NT = 10

NC = 2
NS = 16
NWRK = NC * NS
IPW = B // NWRK
LANE = 16

HCI = 4
WCI = 8
TCI = 16
HROWS = HCI * NH
WROWS = WCI * NWI
TROWS = TCI * NT
BUF_ROWS = 200

_mesh = plsc.VectorSubcoreMesh(core_axis_name="c", subcore_axis_name="s")


def _wid():
    return lax.axis_index("s") * NC + lax.axis_index("c")


def _acc_rows(buf, row_base, n_rows, out_ref, out_row, scale, init=None):
    nlane = D // LANE

    def body(r, acc):
        return tuple(
            acc[l] + buf[row_base + r, pl.ds(l * LANE, LANE)]
            for l in range(nlane)
        )

    acc0 = tuple(jnp.zeros((LANE,), jnp.float32) for _ in range(nlane))
    acc = lax.fori_loop(0, n_rows, body, acc0)
    for l in range(nlane):
        sl = pl.ds(l * LANE, LANE)
        v = acc[l] * scale
        if init == "add":
            out_ref[out_row, sl] = out_ref[out_row, sl] + v
        else:
            out_ref[out_row, sl] = v


@functools.partial(
    pl.kernel,
    out_type=jax.ShapeDtypeStruct((B, D), jnp.float32),
    mesh=_mesh,
    scratch_types=[
        pltpu.VMEM((NH * IPW,), jnp.int32),
        pltpu.VMEM((NWI * IPW,), jnp.int32),
        pltpu.VMEM((IPW, D), jnp.float32),
        pltpu.VMEM((IPW, D), jnp.float32),
        pltpu.VMEM((IPW, D), jnp.float32),
        pltpu.VMEM((IPW, D), jnp.float32),
        pltpu.SemaphoreType.DMA,
        pltpu.SemaphoreType.DMA,
    ],
)
def _user_pool(hist_hbm, wish_hbm, book_hbm, x_hbm, hidx, widx, hacc0, hacc1,
               wacc0, wacc1, hsem, wsem):
    wid = _wid()
    pltpu.sync_copy(hist_hbm.at[wid], hidx)
    pltpu.sync_copy(wish_hbm.at[wid], widx)

    zeros = jnp.zeros((LANE,), jnp.float32)

    @pl.loop(0, IPW)
    def _(r):
        for l in range(D // LANE):
            sl = pl.ds(l * LANE, LANE)
            hacc0[r, sl] = zeros
            hacc1[r, sl] = zeros
            wacc0[r, sl] = zeros
            wacc1[r, sl] = zeros

    @pl.loop(0, NH, step=2)
    def _(k):
        pltpu.async_copy(book_hbm.at[hidx.at[pl.ds(k * IPW, IPW)]], hacc0,
                         hsem, add=True)
        pltpu.async_copy(book_hbm.at[hidx.at[pl.ds((k + 1) * IPW, IPW)]],
                         hacc1, hsem, add=True)

    @pl.loop(0, NWI, step=2)
    def _(k):
        pltpu.async_copy(book_hbm.at[widx.at[pl.ds(k * IPW, IPW)]], wacc0,
                         wsem, add=True)
        pltpu.async_copy(book_hbm.at[widx.at[pl.ds((k + 1) * IPW, IPW)]],
                         wacc1, wsem, add=True)

    @pl.loop(0, NH)
    def _(k):
        pltpu.make_async_copy(book_hbm.at[hidx.at[pl.ds(0, IPW)]], hacc0,
                              hsem).wait()

    @pl.loop(0, NWI)
    def _(k):
        pltpu.make_async_copy(book_hbm.at[widx.at[pl.ds(0, IPW)]], wacc0,
                              wsem).wait()

    @pl.loop(0, IPW)
    def _(r):
        for l in range(D // LANE):
            sl = pl.ds(l * LANE, LANE)
            hacc0[r, sl] = (hacc0[r, sl] + hacc1[r, sl]) * (1.0 / NH) + \
                (wacc0[r, sl] + wacc1[r, sl]) * (1.0 / NWI)

    pltpu.sync_copy(hacc0, x_hbm.at[pl.ds(wid * IPW, IPW)])


_T_OFF = 0
_B_OFF = IPW * NT
_A_OFF = _B_OFF + IPW
_L_OFF = _A_OFF + IPW
_ITM_W = _L_OFF + IPW


@functools.partial(
    pl.kernel,
    out_type=jax.ShapeDtypeStruct((B, D), jnp.float32),
    mesh=_mesh,
    scratch_types=[
        pltpu.VMEM((_ITM_W,), jnp.int32),
        pltpu.VMEM((IPW, D), jnp.float32),
        pltpu.VMEM((IPW, D), jnp.float32),
        pltpu.SemaphoreType.DMA,
        pltpu.SemaphoreType.DMA,
    ],
)
def _item_pool(itm_hbm, book_hbm, auth_hbm, lang_hbm, tag_hbm, i_hbm,
               iidx, iacc, tacc, semi, semt):
    wid = _wid()
    pltpu.sync_copy(itm_hbm.at[wid], iidx)

    zeros = jnp.zeros((LANE,), jnp.float32)

    @pl.loop(0, IPW)
    def _(r):
        for l in range(D // LANE):
            sl = pl.ds(l * LANE, LANE)
            iacc[r, sl] = zeros
            tacc[r, sl] = zeros

    pltpu.async_copy(book_hbm.at[iidx.at[pl.ds(_B_OFF, IPW)]], iacc, semi,
                     add=True)
    pltpu.async_copy(auth_hbm.at[iidx.at[pl.ds(_A_OFF, IPW)]], iacc, semi,
                     add=True)
    pltpu.async_copy(lang_hbm.at[iidx.at[pl.ds(_L_OFF, IPW)]], iacc, semi,
                     add=True)

    @pl.loop(0, NT)
    def _(k):
        pltpu.async_copy(tag_hbm.at[iidx.at[pl.ds(_T_OFF + k * IPW, IPW)]],
                         tacc, semt, add=True)

    for _ in range(3):
        pltpu.make_async_copy(book_hbm.at[iidx.at[pl.ds(_B_OFF, IPW)]],
                              iacc, semi).wait()

    @pl.loop(0, NT)
    def _(k):
        pltpu.make_async_copy(tag_hbm.at[iidx.at[pl.ds(_T_OFF, IPW)]],
                              tacc, semt).wait()

    @pl.loop(0, IPW)
    def _(r):
        for l in range(D // LANE):
            sl = pl.ds(l * LANE, LANE)
            iacc[r, sl] = iacc[r, sl] + tacc[r, sl] * (1.0 / NT)

    pltpu.sync_copy(iacc, i_hbm.at[pl.ds(wid * IPW, IPW)])



_BM = 1024


def _mlp_body(x_ref, w1, b1, w2, b2, w3, b3, w4, b4, o_ref):
    f32 = jnp.float32
    h = jnp.maximum(jnp.dot(x_ref[...], w1[...], preferred_element_type=f32)
                    + b1[...], 0.0)
    h = jnp.maximum(jnp.dot(h, w2[...], preferred_element_type=f32)
                    + b2[...], 0.0)
    h = jnp.maximum(jnp.dot(h, w3[...], preferred_element_type=f32)
                    + b3[...], 0.0)
    o_ref[...] = jnp.dot(h, w4[...], preferred_element_type=f32) + b4[...]


def _user_mlp(x, uW1, ub1, uW2, ub2, uW3, ub3, uW4, ub4):
    full = lambda s: pl.BlockSpec(s, lambda i: (0, 0))
    return pl.pallas_call(
        _mlp_body,
        grid=(B // _BM,),
        in_specs=[
            pl.BlockSpec((_BM, D), lambda i: (i, 0)),
            full(uW1.shape), full(ub1.shape),
            full(uW2.shape), full(ub2.shape),
            full(uW3.shape), full(ub3.shape),
            full(uW4.shape), full(ub4.shape),
        ],
        out_specs=pl.BlockSpec((_BM, D), lambda i: (i, 0)),
        out_shape=jax.ShapeDtypeStruct((B, D), jnp.float32),
        compiler_params=pltpu.CompilerParams(
            dimension_semantics=("arbitrary",)),
    )(x, uW1, ub1, uW2, ub2, uW3, ub3, uW4, ub4)


def _combine_body(u_ref, ip_ref, dn_ref, w1, b1, w2, b2, o_ref):
    f32 = jnp.float32
    h = jnp.maximum(jnp.dot(dn_ref[...], w1[...], preferred_element_type=f32)
                    + b1[...], 0.0)
    d = jnp.dot(h, w2[...], preferred_element_type=f32) + b2[...]
    o_ref[...] = jnp.sum(u_ref[...] * (ip_ref[...] + d), axis=1,
                         keepdims=True)


def _combine(u, ipart, dense8, dW1p, db1, dW2, db2):
    full = lambda s: pl.BlockSpec(s, lambda i: (0, 0))
    return pl.pallas_call(
        _combine_body,
        grid=(B // _BM,),
        in_specs=[
            pl.BlockSpec((_BM, D), lambda i: (i, 0)),
            pl.BlockSpec((_BM, D), lambda i: (i, 0)),
            pl.BlockSpec((_BM, 8), lambda i: (i, 0)),
            full(dW1p.shape), full(db1.shape),
            full(dW2.shape), full(db2.shape),
        ],
        out_specs=pl.BlockSpec((_BM, 1), lambda i: (i, 0)),
        out_shape=jax.ShapeDtypeStruct((B, 1), jnp.float32),
        compiler_params=pltpu.CompilerParams(
            dimension_semantics=("arbitrary",)),
    )(u, ipart, dense8, dW1p, db1, dW2, db2)


def kernel(hist_ids, wish_ids, bid, auth, lang, tags, dense, book_emb,
           auth_emb, lang_emb, tag_emb, dW1, db1, dW2, db2, uW1, ub1,
           uW2, ub2, uW3, ub3, uW4, ub4):
    i32 = jnp.int32
    hist_r = hist_ids.astype(i32).reshape(NWRK, IPW, NH).transpose(0, 2, 1) \
        .reshape(NWRK, NH * IPW)
    wish_r = wish_ids.astype(i32).reshape(NWRK, IPW, NWI).transpose(0, 2, 1) \
        .reshape(NWRK, NWI * IPW)
    tags_t = tags.astype(i32).reshape(NWRK, IPW, NT).transpose(0, 2, 1) \
        .reshape(NWRK, NT * IPW)
    itm = jnp.concatenate(
        [tags_t,
         bid.astype(i32).reshape(NWRK, IPW),
         auth.astype(i32).reshape(NWRK, IPW),
         lang.astype(i32).reshape(NWRK, IPW)],
        axis=1,
    )

    x = _user_pool(hist_r, wish_r, book_emb)
    ipart = _item_pool(itm, book_emb, auth_emb, lang_emb, tag_emb)

    u = _user_mlp(x, uW1, ub1.reshape(1, -1), uW2, ub2.reshape(1, -1),
                  uW3, ub3.reshape(1, -1), uW4, ub4.reshape(1, -1))

    dense8 = jnp.pad(dense, ((0, 0), (0, 5)))
    dW1p = jnp.pad(dW1, ((0, 5), (0, 0)))
    return _combine(u, ipart, dense8, dW1p, db1.reshape(1, -1), dW2,
                    db2.reshape(1, -1))

# --- scband reference (transcript-rebuilt; emitter-appended) ---
"""Pipeline reference for scband-two-tower-23356032156354 (READ-ONLY COPY).

The authoritative reference and input builder live on the scoring server;
editing this copy changes nothing except your own understanding.
"""

import jax, jax.numpy as jnp
import numpy as np

B = 4096
D = 128
NUM_BOOKS = 100000
NUM_AUTHORS = 100000
NUM_LANGS = 1000
NUM_TAGS = 100000
DENSE_HID = 64


def setup_inputs(seed: int = 0) -> dict:
    key = jax.random.key(seed)
    ks = jax.random.split(key, 32)
    inp = {}
    inp["hist_ids"] = jax.random.randint(ks[0], (B, 50), 0, NUM_BOOKS)
    inp["wish_ids"] = jax.random.randint(ks[1], (B, 20), 0, NUM_BOOKS)
    inp["bid"] = jax.random.randint(ks[2], (B,), 0, NUM_BOOKS)
    inp["auth"] = jax.random.randint(ks[3], (B,), 0, NUM_AUTHORS)
    inp["lang"] = jax.random.randint(ks[4], (B,), 0, NUM_LANGS)
    inp["tags"] = jax.random.randint(ks[5], (B, 10), 0, NUM_TAGS)
    inp["dense"] = jax.random.normal(ks[6], (B, 3), dtype=jnp.float32)
    # embedding tables (padding_idx=0 row zeroed)
    inp["book_emb"] = (jax.random.normal(ks[7], (NUM_BOOKS + 1, D), dtype=jnp.float32) * 0.02).at[0].set(0.0)
    inp["auth_emb"] = (jax.random.normal(ks[8], (NUM_AUTHORS + 1, D), dtype=jnp.float32) * 0.02).at[0].set(0.0)
    inp["lang_emb"] = (jax.random.normal(ks[9], (NUM_LANGS + 1, D), dtype=jnp.float32) * 0.02).at[0].set(0.0)
    inp["tag_emb"] = (jax.random.normal(ks[10], (NUM_TAGS + 1, D), dtype=jnp.float32) * 0.02).at[0].set(0.0)
    # dense MLP: 3 -> 64 -> 128
    inp["dW1"] = jax.random.normal(ks[11], (3, DENSE_HID), dtype=jnp.float32) * 0.1
    inp["db1"] = jnp.zeros((DENSE_HID,), dtype=jnp.float32)
    inp["dW2"] = jax.random.normal(ks[12], (DENSE_HID, D), dtype=jnp.float32) * 0.1
    inp["db2"] = jnp.zeros((D,), dtype=jnp.float32)
    # user MLP: 128 -> 1024 -> 512 -> 256 -> 128
    inp["uW1"] = jax.random.normal(ks[13], (D, 1024), dtype=jnp.float32) * 0.05
    inp["ub1"] = jnp.zeros((1024,), dtype=jnp.float32)
    inp["uW2"] = jax.random.normal(ks[14], (1024, 512), dtype=jnp.float32) * 0.05
    inp["ub2"] = jnp.zeros((512,), dtype=jnp.float32)
    inp["uW3"] = jax.random.normal(ks[15], (512, 256), dtype=jnp.float32) * 0.05
    inp["ub3"] = jnp.zeros((256,), dtype=jnp.float32)
    inp["uW4"] = jax.random.normal(ks[16], (256, D), dtype=jnp.float32) * 0.05
    inp["ub4"] = jnp.zeros((D,), dtype=jnp.float32)
    return inp


def reference(hist_ids, wish_ids, bid, auth, lang, tags, dense, book_emb, auth_emb, lang_emb, tag_emb, dW1, db1, dW2, db2, uW1, ub1, uW2, ub2, uW3, ub3, uW4, ub4):
    h_emb = jnp.take(book_emb, hist_ids, axis=0).mean(axis=1)
    w_emb = jnp.take(book_emb, wish_ids, axis=0).mean(axis=1)
    x = h_emb + w_emb
    x = jax.nn.relu(x @ uW1 + ub1)
    x = jax.nn.relu(x @ uW2 + ub2)
    x = jax.nn.relu(x @ uW3 + ub3)
    u_emb = x @ uW4 + ub4
    b_e = jnp.take(book_emb, bid, axis=0)
    a_e = jnp.take(auth_emb, auth, axis=0)
    l_e = jnp.take(lang_emb, lang, axis=0)
    t_e = jnp.take(tag_emb, tags, axis=0).mean(axis=1)
    d_e = jax.nn.relu(dense @ dW1 + db1) @ dW2 + db2
    i_emb = b_e + a_e + l_e + t_e + d_e
    return (u_emb * i_emb).sum(axis=1, keepdims=True)

if __name__ == "__main__":
    import jax
    _d = setup_inputs()
    print(jax.jit(kernel)(*tuple(_d.values())))

</pallas_src>

<mosaic_0001>
#map = affine_map<(d0, d1) -> (0, 0)>
module attributes {stable_mosaic.version = 14 : i64} {
  func.func @_user_pool(%arg0: i32, %arg1: i32, %arg2: memref<32x6400xi32, #tpu.memory_space<hbm>>, %arg3: memref<32x2560xi32, #tpu.memory_space<hbm>>, %arg4: memref<100001x128xf32, #tpu.memory_space<hbm>>, %arg5: memref<4096x128xf32, #tpu.memory_space<hbm>>, %arg6: memref<6400xi32, #tpu.memory_space<vmem>>, %arg7: memref<2560xi32, #tpu.memory_space<vmem>>, %arg8: memref<128x128xf32, #tpu.memory_space<vmem>>, %arg9: memref<128x128xf32, #tpu.memory_space<vmem>>, %arg10: memref<128x128xf32, #tpu.memory_space<vmem>>, %arg11: memref<128x128xf32, #tpu.memory_space<vmem>>, %arg12: memref<!tpu.dma_semaphore, #tpu.memory_space<semaphore_mem>>, %arg13: memref<!tpu.dma_semaphore, #tpu.memory_space<semaphore_mem>>) attributes {dimension_semantics = [#tpu.dimension_semantics<core_parallel>, #tpu.dimension_semantics<subcore_parallel>], iteration_bounds = array<i64: 2, 16>, scalar_prefetch = 0 : i64, scratch_operands = 8 : i64, tpu.core_type = #tpu.core_type<sc_vector_subcore>, window_params = [{transform_indices = #map}, {transform_indices = #map}, {transform_indices = #map}, {transform_indices = #map}]} {
    %mul3A = arith.constant 2 : i32
    %mul3A_0 = arith.muli %arg1, %mul3A : i32
    %add3A = arith.addi %mul3A_0, %arg0 : i32
    "tpu.region"() ({
      %run_scoped3A = tpu.sem_alloc : memref<!tpu.dma_semaphore, #tpu.memory_space<semaphore_mem>>
      %dma_start3A = arith.constant 0 : i32
      %dma_start3A_33 = tpu.memref_slice %arg2[%add3A, %dma_start3A] : memref<32x6400xi32, #tpu.memory_space<hbm>> -> memref<1x6400xi32, #tpu.memory_space<hbm>>
      %dma_start3A_34 = tpu.memref_squeeze %dma_start3A_33 : memref<1x6400xi32, #tpu.memory_space<hbm>> -> memref<6400xi32, #tpu.memory_space<hbm>>
      %dma_start3A_35 = arith.constant 0 : i32
      %dma_start3A_36 = tpu.memref_slice %arg2[%add3A, %dma_start3A_35] : memref<32x6400xi32, #tpu.memory_space<hbm>> -> memref<1x6400xi32, #tpu.memory_space<hbm>>
      %dma_start3A_37 = tpu.memref_squeeze %dma_start3A_36 : memref<1x6400xi32, #tpu.memory_space<hbm>> -> memref<6400xi32, #tpu.memory_space<hbm>>
      tpu.enqueue_dma source(%dma_start3A_37 : memref<6400xi32, #tpu.memory_space<hbm>>) target(%arg6 : memref<6400xi32, #tpu.memory_space<vmem>>) target_semaphore(%run_scoped3A : memref<!tpu.dma_semaphore, #tpu.memory_space<semaphore_mem>>)
      %dma_wait3A = arith.constant 0 : i32
      %dma_wait3A_38 = tpu.memref_slice %arg2[%add3A, %dma_wait3A] : memref<32x6400xi32, #tpu.memory_space<hbm>> -> memref<1x6400xi32, #tpu.memory_space<hbm>>
      %dma_wait3A_39 = tpu.memref_squeeze %dma_wait3A_38 : memref<1x6400xi32, #tpu.memory_space<hbm>> -> memref<6400xi32, #tpu.memory_space<hbm>>
      %dma_wait3A_40 = arith.constant 0 : i32
      %dma_wait3A_41 = tpu.memref_slice %arg2[%add3A, %dma_wait3A_40] : memref<32x6400xi32, #tpu.memory_space<hbm>> -> memref<1x6400xi32, #tpu.memory_space<hbm>>
      %dma_wait3A_42 = tpu.memref_squeeze %dma_wait3A_41 : memref<1x6400xi32, #tpu.memory_space<hbm>> -> memref<6400xi32, #tpu.memory_space<hbm>>
      tpu.wait_dma2 semaphore(%run_scoped3A : memref<!tpu.dma_semaphore, #tpu.memory_space<semaphore_mem>>) src(%dma_wait3A_42 : memref<6400xi32, #tpu.memory_space<hbm>>) dst(%arg6 : memref<6400xi32, #tpu.memory_space<vmem>>)
      tpu.yield
    }) : () -> ()
    "tpu.region"() ({
      %run_scoped3A = tpu.sem_alloc : memref<!tpu.dma_semaphore, #tpu.memory_space<semaphore_mem>>
      %dma_start3A = arith.constant 0 : i32
      %dma_start3A_33 = tpu.memref_slice %arg3[%add3A, %dma_start3A] : memref<32x2560xi32, #tpu.memory_space<hbm>> -> memref<1x2560xi32, #tpu.memory_space<hbm>>
      %dma_start3A_34 = tpu.memref_squeeze %dma_start3A_33 : memref<1x2560xi32, #tpu.memory_space<hbm>> -> memref<2560xi32, #tpu.memory_space<hbm>>
      %dma_start3A_35 = arith.constant 0 : i32
      %dma_start3A_36 = tpu.memref_slice %arg3[%add3A, %dma_start3A_35] : memref<32x2560xi32, #tpu.memory_space<hbm>> -> memref<1x2560xi32, #tpu.memory_space<hbm>>
      %dma_start3A_37 = tpu.memref_squeeze %dma_start3A_36 : memref<1x2560xi32, #tpu.memory_space<hbm>> -> memref<2560xi32, #tpu.memory_space<hbm>>
      tpu.enqueue_dma source(%dma_start3A_37 : memref<2560xi32, #tpu.memory_space<hbm>>) target(%arg7 : memref<2560xi32, #tpu.memory_space<vmem>>) target_semaphore(%run_scoped3A : memref<!tpu.dma_semaphore, #tpu.memory_space<semaphore_mem>>)
      %dma_wait3A = arith.constant 0 : i32
      %dma_wait3A_38 = tpu.memref_slice %arg3[%add3A, %dma_wait3A] : memref<32x2560xi32, #tpu.memory_space<hbm>> -> memref<1x2560xi32, #tpu.memory_space<hbm>>
      %dma_wait3A_39 = tpu.memref_squeeze %dma_wait3A_38 : memref<1x2560xi32, #tpu.memory_space<hbm>> -> memref<2560xi32, #tpu.memory_space<hbm>>
      %dma_wait3A_40 = arith.constant 0 : i32
      %dma_wait3A_41 = tpu.memref_slice %arg3[%add3A, %dma_wait3A_40] : memref<32x2560xi32, #tpu.memory_space<hbm>> -> memref<1x2560xi32, #tpu.memory_space<hbm>>
      %dma_wait3A_42 = tpu.memref_squeeze %dma_wait3A_41 : memref<1x2560xi32, #tpu.memory_space<hbm>> -> memref<2560xi32, #tpu.memory_space<hbm>>
      tpu.wait_dma2 semaphore(%run_scoped3A : memref<!tpu.dma_semaphore, #tpu.memory_space<semaphore_mem>>) src(%dma_wait3A_42 : memref<2560xi32, #tpu.memory_space<hbm>>) dst(%arg7 : memref<2560xi32, #tpu.memory_space<vmem>>)
      tpu.yield
    }) : () -> ()
    %broadcast_in_dim3A = arith.constant 0.000000e+00 : f32
    %broadcast_in_dim3A_1 = vector.broadcast %broadcast_in_dim3A : f32 to vector<16xf32>
    %scan3A = arith.constant 0 : i32
    %scan3A_2 = arith.constant 128 : i32
    %scan3A_3 = arith.addi %scan3A, %scan3A_2 : i32
    %scan3A_4 = arith.constant 1 : i32
    scf.for %scan3A_33 = %scan3A to %scan3A_3 step %scan3A_4  : i32 {
      %mul3A_34 = arith.constant 1 : i32
      %mul3A_35 = arith.muli %scan3A_33, %mul3A_34 : i32
      %add3A_36 = arith.constant 0 : i32
      %add3A_37 = arith.addi %add3A_36, %mul3A_35 : i32
      %swap3A = arith.index_cast %add3A_37 : i32 to index
      %swap3A_38 = arith.constant 0 : index
      %swap3A_39 = tpu.vector_load %arg8[%swap3A, %swap3A_38] {strides = array<i32>} : memref<128x128xf32, #tpu.memory_space<vmem>>, vector<1x16xf32>,
      %swap3A_40 = vector.shape_cast %swap3A_39 : vector<1x16xf32> to vector<16xf32>
      %swap3A_41 = vector.shape_cast %broadcast_in_dim3A_1 : vector<16xf32> to vector<1x16xf32>
      tpu.vector_store %arg8[%swap3A, %swap3A_38], %swap3A_41 {strides = array<i32>} : memref<128x128xf32, #tpu.memory_space<vmem>>, vector<1x16xf32>,
      %swap3A_42 = arith.index_cast %add3A_37 : i32 to index
      %swap3A_43 = arith.constant 0 : index
      %swap3A_44 = tpu.vector_load %arg9[%swap3A_42, %swap3A_43] {strides = array<i32>} : memref<128x128xf32, #tpu.memory_space<vmem>>, vector<1x16xf32>,
      %swap3A_45 = vector.shape_cast %swap3A_44 : vector<1x16xf32> to vector<16xf32>
      %swap3A_46 = vector.shape_cast %broadcast_in_dim3A_1 : vector<16xf32> to vector<1x16xf32>
      tpu.vector_store %arg9[%swap3A_42, %swap3A_43], %swap3A_46 {strides = array<i32>} : memref<128x128xf32, #tpu.memory_space<vmem>>, vector<1x16xf32>,
      %swap3A_47 = arith.index_cast %add3A_37 : i32 to index
      %swap3A_48 = arith.constant 0 : index
      %swap3A_49 = tpu.vector_load %arg10[%swap3A_47, %swap3A_48] {strides = array<i32>} : memref<128x128xf32, #tpu.memory_space<vmem>>, vector<1x16xf32>,
      %swap3A_50 = vector.shape_cast %swap3A_49 : vector<1x16xf32> to vector<16xf32>
      %swap3A_51 = vector.shape_cast %broadcast_in_dim3A_1 : vector<16xf32> to vector<1x16xf32>
      tpu.vector_store %arg10[%swap3A_47, %swap3A_48], %swap3A_51 {strides = array<i32>} : memref<128x128xf32, #tpu.memory_space<vmem>>, vector<1x16xf32>,
      %swap3A_52 = arith.index_cast %add3A_37 : i32 to index
      %swap3A_53 = arith.constant 0 : index
      %swap3A_54 = tpu.vector_load %arg11[%swap3A_52, %swap3A_53] {strides = array<i32>} : memref<128x128xf32, #tpu.memory_space<vmem>>, vector<1x16xf32>,
      %swap3A_55 = vector.shape_cast %swap3A_54 : vector<1x16xf32> to vector<16xf32>
      %swap3A_56 = vector.shape_cast %broadcast_in_dim3A_1 : vector<16xf32> to vector<1x16xf32>
      tpu.vector_store %arg11[%swap3A_52, %swap3A_53], %swap3A_56 {strides = array<i32>} : memref<128x128xf32, #tpu.memory_space<vmem>>, vector<1x16xf32>,
      %swap3A_57 = arith.index_cast %add3A_37 : i32 to index
      %swap3A_58 = arith.constant 16 : index
      %swap3A_59 = tpu.vector_load %arg8[%swap3A_57, %swap3A_58] {strides = array<i32>} : memref<128x128xf32, #tpu.memory_space<vmem>>, vector<1x16xf32>,
      %swap3A_60 = vector.shape_cast %swap3A_59 : vector<1x16xf32> to vector<16xf32>
      %swap3A_61 = vector.shape_cast %broadcast_in_dim3A_1 : vector<16xf32> to vector<1x16xf32>
      tpu.vector_store %arg8[%swap3A_57, %swap3A_58], %swap3A_61 {strides = array<i32>} : memref<128x128xf32, #tpu.memory_space<vmem>>, vector<1x16xf32>,
      %swap3A_62 = arith.index_cast %add3A_37 : i32 to index
      %swap3A_63 = arith.constant 16 : index
      %swap3A_64 = tpu.vector_load %arg9[%swap3A_62, %swap3A_63] {strides = array<i32>} : memref<128x128xf32, #tpu.memory_space<vmem>>, vector<1x16xf32>,
      %swap3A_65 = vector.shape_cast %swap3A_64 : vector<1x16xf32> to vector<16xf32>
      %swap3A_66 = vector.shape_cast %broadcast_in_dim3A_1 : vector<16xf32> to vector<1x16xf32>
      tpu.vector_store %arg9[%swap3A_62, %swap3A_63], %swap3A_66 {strides = array<i32>} : memref<128x128xf32, #tpu.memory_space<vmem>>, vector<1x16xf32>,
      %swap3A_67 = arith.index_cast %add3A_37 : i32 to index
      %swap3A_68 = arith.constant 16 : index
      %swap3A_69 = tpu.vector_load %arg10[%swap3A_67, %swap3A_68] {strides = array<i32>} : memref<128x128xf32, #tpu.memory_space<vmem>>, vector<1x16xf32>,
      %swap3A_70 = vector.shape_cast %swap3A_69 : vector<1x16xf32> to vector<16xf32>
      %swap3A_71 = vector.shape_cast %broadcast_in_dim3A_1 : vector<16xf32> to vector<1x16xf32>
      tpu.vector_store %arg10[%swap3A_67, %swap3A_68], %swap3A_71 {strides = array<i32>} : memref<128x128xf32, #tpu.memory_space<vmem>>, vector<1x16xf32>,
      %swap3A_72 = arith.index_cast %add3A_37 : i32 to index
      %swap3A_73 = arith.constant 16 : index
      %swap3A_74 = tpu.vector_load %arg11[%swap3A_72, %swap3A_73] {strides = array<i32>} : memref<128x128xf32, #tpu.memory_space<vmem>>, vector<1x16xf32>,
      %swap3A_75 = vector.shape_cast %swap3A_74 : vector<1x16xf32> to vector<16xf32>
      %swap3A_76 = vector.shape_cast %broadcast_in_dim3A_1 : vector<16xf32> to vector<1x16xf32>
      tpu.vector_store %arg11[%swap3A_72, %swap3A_73], %swap3A_76 {strides = array<i32>} : memref<128x128xf32, #tpu.memory_space<vmem>>, vector<1x16xf32>,
      %swap3A_77 = arith.index_cast %add3A_37 : i32 to index
      %swap3A_78 = arith.constant 32 : index
      %swap3A_79 = tpu.vector_load %arg8[%swap3A_77, %swap3A_78] {strides = array<i32>} : memref<128x128xf32, #tpu.memory_space<vmem>>, vector<1x16xf32>,
      %swap3A_80 = vector.shape_cast %swap3A_79 : vector<1x16xf32> to vector<16xf32>
      %swap3A_81 = vector.shape_cast %broadcast_in_dim3A_1 : vector<16xf32> to vector<1x16xf32>
      tpu.vector_store %arg8[%swap3A_77, %swap3A_78], %swap3A_81 {strides = array<i32>} : memref<128x128xf32, #tpu.memory_space<vmem>>, vector<1x16xf32>,
      %swap3A_82 = arith.index_cast %add3A_37 : i32 to index
      %swap3A_83 = arith.constant 32 : index
      %swap3A_84 = tpu.vector_load %arg9[%swap3A_82, %swap3A_83] {strides = array<i32>} : memref<128x128xf32, #tpu.memory_space<vmem>>, vector<1x16xf32>,
      %swap3A_85 = vector.shape_cast %swap3A_84 : vector<1x16xf32> to vector<16xf32>
      %swap3A_86 = vector.shape_cast %broadcast_in_dim3A_1 : vector<16xf32> to vector<1x16xf32>
      tpu.vector_store %arg9[%swap3A_82, %swap3A_83], %swap3A_86 {strides = array<i32>} : memref<128x128xf32, #tpu.memory_space<vmem>>, vector<1x16xf32>,
      %swap3A_87 = arith.index_cast %add3A_37 : i32 to index
      %swap3A_88 = arith.constant 32 : index
      %swap3A_89 = tpu.vector_load %arg10[%swap3A_87, %swap3A_88] {strides = array<i32>} : memref<128x128xf32, #tpu.memory_space<vmem>>, vector<1x16xf32>,
      %swap3A_90 = vector.shape_cast %swap3A_89 : vector<1x16xf32> to vector<16xf32>
      %swap3A_91 = vector.shape_cast %broadcast_in_dim3A_1 : vector<16xf32> to vector<1x16xf32>
      tpu.vector_store %arg10[%swap3A_87, %swap3A_88], %swap3A_91 {strides = array<i32>} : memref<128x128xf32, #tpu.memory_space<vmem>>, vector<1x16xf32>,
      %swap3A_92 = arith.index_cast %add3A_37 : i32 to index
      %swap3A_93 = arith.constant 32 : index
      %swap3A_94 = tpu.vector_load %arg11[%swap3A_92, %swap3A_93] {strides = array<i32>} : memref<128x128xf32, #tpu.memory_space<vmem>>, vector<1x16xf32>,
      %swap3A_95 = vector.shape_cast %swap3A_94 : vector<1x16xf32> to vector<16xf32>
      %swap3A_96 = vector.shape_cast %broadcast_in_dim3A_1 : vector<16xf32> to vector<1x16xf32>
      tpu.vector_store %arg11[%swap3A_92, %swap3A_93], %swap3A_96 {strides = array<i32>} : memref<128x128xf32, #tpu.memory_space<vmem>>, vector<1x16xf32>,
      %swap3A_97 = arith.index_cast %add3A_37 : i32 to index
      %swap3A_98 = arith.constant 48 : index
      %swap3A_99 = tpu.vector_load %arg8[%swap3A_97, %swap3A_98] {strides = array<i32>} : memref<128x128xf32, #tpu.memory_space<vmem>>, vector<1x16xf32>,
      %swap3A_100 = vector.shape_cast %swap3A_99 : vector<1x16xf32> to vector<16xf32>
      %swap3A_101 = vector.shape_cast %broadcast_in_dim3A_1 : vector<16xf32> to vector<1x16xf32>
      tpu.vector_store %arg8[%swap3A_97, %swap3A_98], %swap3A_101 {strides = array<i32>} : memref<128x128xf32, #tpu.memory_space<vmem>>, vector<1x16xf32>,
      %swap3A_102 = arith.index_cast %add3A_37 : i32 to index
      %swap3A_103 = arith.constant 48 : index
      %swap3A_104 = tpu.vector_load %arg9[%swap3A_102, %swap3A_103] {strides = array<i32>} : memref<128x128xf32, #tpu.memory_space<vmem>>, vector<1x16xf32>,
      %swap3A_105 = vector.shape_cast %swap3A_104 : vector<1x16xf32> to vector<16xf32>
      %swap3A_106 = vector.shape_cast %broadcast_in_dim3A_1 : vector<16xf32> to vector<1x16xf32>
      tpu.vector_store %arg9[%swap3A_102, %swap3A_103], %swap3A_106 {strides = array<i32>} : memref<128x128xf32, #tpu.memory_space<vmem>>, vector<1x16xf32>,
      %swap3A_107 = arith.index_cast %add3A_37 : i32 to index
      %swap3A_108 = arith.constant 48 : index
      %swap3A_109 = tpu.vector_load %arg10[%swap3A_107, %swap3A_108] {strides = array<i32>} : memref<128x128xf32, #tpu.memory_space<vmem>>, vector<1x16xf32>,
      %swap3A_110 = vector.shape_cast %swap3A_109 : vector<1x16xf32> to vector<16xf32>
      %swap3A_111 = vector.shape_cast %broadcast_in_dim3A_1 : vector<16xf32> to vector<1x16xf32>
      tpu.vector_store %arg10[%swap3A_107, %swap3A_108], %swap3A_111 {strides = array<i32>} : memref<128x128xf32, #tpu.memory_space<vmem>>, vector<1x16xf32>,
      %swap3A_112 = arith.index_cast %add3A_37 : i32 to index
      %swap3A_113 = arith.constant 48 : index
      %swap3A_114 = tpu.vector_load %arg11[%swap3A_112, %swap3A_113] {strides = array<i32>} : memref<128x128xf32, #tpu.memory_space<vmem>>, vector<1x16xf32>,
      %swap3A_115 = vector.shape_cast %swap3A_114 : vector<1x16xf32> to vector<16xf32>
      %swap3A_116 = vector.shape_cast %broadcast_in_dim3A_1 : vector<16xf32> to vector<1x16xf32>
      tpu.vector_store %arg11[%swap3A_112, %swap3A_113], %swap3A_116 {strides = array<i32>} : memref<128x128xf32, #tpu.memory_space<vmem>>, vector<1x16xf32>,
      %swap3A_117 = arith.index_cast %add3A_37 : i32 to index
      %swap3A_118 = arith.constant 64 : index
      %swap3A_119 = tpu.vector_load %arg8[%swap3A_117, %swap3A_118] {strides = array<i32>} : memref<128x128xf32, #tpu.memory_space<vmem>>, vector<1x16xf32>,
      %swap3A_120 = vector.shape_cast %swap3A_119 : vector<1x16xf32> to vector<16xf32>
      %swap3A_121 = vector.shape_cast %broadcast_in_dim3A_1 : vector<16xf32> to vector<1x16xf32>
      tpu.vector_store %arg8[%swap3A_117, %swap3A_118], %swap3A_121 {strides = array<i32>} : memref<128x128xf32, #tpu.memory_space<vmem>>, vector<1x16xf32>,
      %swap3A_122 = arith.index_cast %add3A_37 : i32 to index
      %swap3A_123 = arith.constant 64 : index
      %swap3A_124 = tpu.vector_load %arg9[%swap3A_122, %swap3A_123] {strides = array<i32>} : memref<128x128xf32, #tpu.memory_space<vmem>>, vector<1x16xf32>,
      %swap3A_125 = vector.shape_cast %swap3A_124 : vector<1x16xf32> to vector<16xf32>
      %swap3A_126 = vector.shape_cast %broadcast_in_dim3A_1 : vector<16xf32> to vector<1x16xf32>
      tpu.vector_store %arg9[%swap3A_122, %swap3A_123], %swap3A_126 {strides = array<i32>} : memref<128x128xf32, #tpu.memory_space<vmem>>, vector<1x16xf32>,
      %swap3A_127 = arith.index_cast %add3A_37 : i32 to index
      %swap3A_128 = arith.constant 64 : index
      %swap3A_129 = tpu.vector_load %arg10[%swap3A_127, %swap3A_128] {strides = array<i32>} : memref<128x128xf32, #tpu.memory_space<vmem>>, vector<1x16xf32>,
      %swap3A_130 = vector.shape_cast %swap3A_129 : vector<1x16xf32> to vector<16xf32>
      %swap3A_131 = vector.shape_cast %broadcast_in_dim3A_1 : vector<16xf32> to vector<1x16xf32>
      tpu.vector_store %arg10[%swap3A_127, %swap3A_128], %swap3A_131 {strides = array<i32>} : memref<128x128xf32, #tpu.memory_space<vmem>>, vector<1x16xf32>,
      %swap3A_132 = arith.index_cast %add3A_37 : i32 to index
      %swap3A_133 = arith.constant 64 : index
      %swap3A_134 = tpu.vector_load %arg11[%swap3A_132, %swap3A_133] {strides = array<i32>} : memref<128x128xf32, #tpu.memory_space<vmem>>, vector<1x16xf32>,
      %swap3A_135 = vector.shape_cast %swap3A_134 : vector<1x16xf32> to vector<16xf32>
      %swap3A_136 = vector.shape_cast %broadcast_in_dim3A_1 : vector<16xf32> to vector<1x16xf32>
      tpu.vector_store %arg11[%swap3A_132, %swap3A_133], %swap3A_136 {strides = array<i32>} : memref<128x128xf32, #tpu.memory_space<vmem>>, vector<1x16xf32>,
      %swap3A_137 = arith.index_cast %add3A_37 : i32 to index
      %swap3A_138 = arith.constant 80 : index
      %swap3A_139 = tpu.vector_load %arg8[%swap3A_137, %swap3A_138] {strides = array<i32>} : memref<128x128xf32, #tpu.memory_space<vmem>>, vector<1x16xf32>,
      %swap3A_140 = vector.shape_cast %swap3A_139 : vector<1x16xf32> to vector<16xf32>
      %swap3A_141 = vector.shape_cast %broadcast_in_dim3A_1 : vector<16xf32> to vector<1x16xf32>
      tpu.vector_store %arg8[%swap3A_137, %swap3A_138], %swap3A_141 {strides = array<i32>} : memref<128x128xf32, #tpu.memory_space<vmem>>, vector<1x16xf32>,
      %swap3A_142 = arith.index_cast %add3A_37 : i32 to index
      %swap3A_143 = arith.constant 80 : index
      %swap3A_144 = tpu.vector_load %arg9[%swap3A_142, %swap3A_143] {strides = array<i32>} : memref<128x128xf32, #tpu.memory_space<vmem>>, vector<1x16xf32>,
      %swap3A_145 = vector.shape_cast %swap3A_144 : vector<1x16xf32> to vector<16xf32>
      %swap3A_146 = vector.shape_cast %broadcast_in_dim3A_1 : vector<16xf32> to vector<1x16xf32>
      tpu.vector_store %arg9[%swap3A_142, %swap3A_143], %swap3A_146 {strides = array<i32>} : memref<128x128xf32, #tpu.memory_space<vmem>>, vector<1x16xf32>,
      %swap3A_147 = arith.index_cast %add3A_37 : i32 to index
      %swap3A_148 = arith.constant 80 : index
      %swap3A_149 = tpu.vector_load %arg10[%swap3A_147, %swap3A_148] {strides = array<i32>} : memref<128x128xf32, #tpu.memory_space<vmem>>, vector<1x16xf32>,
      %swap3A_150 = vector.shape_cast %swap3A_149 : vector<1x16xf32> to vector<16xf32>
      %swap3A_151 = vector.shape_cast %broadcast_in_dim3A_1 : vector<16xf32> to vector<1x16xf32>
      tpu.vector_store %arg10[%swap3A_147, %swap3A_148], %swap3A_151 {strides = array<i32>} : memref<128x128xf32, #tpu.memory_space<vmem>>, vector<1x16xf32>,
      %swap3A_152 = arith.index_cast %add3A_37 : i32 to index
      %swap3A_153 = arith.constant 80 : index
      %swap3A_154 = tpu.vector_load %arg11[%swap3A_152, %swap3A_153] {strides = array<i32>} : memref<128x128xf32, #tpu.memory_space<vmem>>, vector<1x16xf32>,
      %swap3A_155 = vector.shape_cast %swap3A_154 : vector<1x16xf32> to vector<16xf32>
      %swap3A_156 = vector.shape_cast %broadcast_in_dim3A_1 : vector<16xf32> to vector<1x16xf32>
      tpu.vector_store %arg11[%swap3A_152, %swap3A_153], %swap3A_156 {strides = array<i32>} : memref<128x128xf32, #tpu.memory_space<vmem>>, vector<1x16xf32>,
      %swap3A_157 = arith.index_cast %add3A_37 : i32 to index
      %swap3A_158 = arith.constant 96 : index
      %swap3A_159 = tpu.vector_load %arg8[%swap3A_157, %swap3A_158] {strides = array<i32>} : memref<128x128xf32, #tpu.memory_space<vmem>>, vector<1x16xf32>,
      %swap3A_160 = vector.shape_cast %swap3A_159 : vector<1x16xf32> to vector<16xf32>
      %swap3A_161 = vector.shape_cast %broadcast_in_dim3A_1 : vector<16xf32> to vector<1x16xf32>
      tpu.vector_store %arg8[%swap3A_157, %swap3A_158], %swap3A_161 {strides = array<i32>} : memref<128x128xf32, #tpu.memory_space<vmem>>, vector<1x16xf32>,
      %swap3A_162 = arith.index_cast %add3A_37 : i32 to index
      %swap3A_163 = arith.constant 96 : index
      %swap3A_164 = tpu.vector_load %arg9[%swap3A_162, %swap3A_163] {strides = array<i32>} : memref<128x128xf32, #tpu.memory_space<vmem>>, vector<1x16xf32>,
      %swap3A_165 = vector.shape_cast %swap3A_164 : vector<1x16xf32> to vector<16xf32>
      %swap3A_166 = vector.shape_cast %broadcast_in_dim3A_1 : vector<16xf32> to vector<1x16xf32>
      tpu.vector_store %arg9[%swap3A_162, %swap3A_163], %swap3A_166 {strides = array<i32>} : memref<128x128xf32, #tpu.memory_space<vmem>>, vector<1x16xf32>,
      %swap3A_167 = arith.index_cast %add3A_37 : i32 to index
      %swap3A_168 = arith.constant 96 : index
      %swap3A_169 = tpu.vector_load %arg10[%swap3A_167, %swap3A_168] {strides = array<i32>} : memref<128x128xf32, #tpu.memory_space<vmem>>, vector<1x16xf32>,
      %swap3A_170 = vector.shape_cast %swap3A_169 : vector<1x16xf32> to vector<16xf32>
      %swap3A_171 = vector.shape_cast %broadcast_in_dim3A_1 : vector<16xf32> to vector<1x16xf32>
      tpu.vector_store %arg10[%swap3A_167, %swap3A_168], %swap3A_171 {strides = array<i32>} : memref<128x128xf32, #tpu.memory_space<vmem>>, vector<1x16xf32>,
      %swap3A_172 = arith.index_cast %add3A_37 : i32 to index
      %swap3A_173 = arith.constant 96 : index
      %swap3A_174 = tpu.vector_load %arg11[%swap3A_172, %swap3A_173] {strides = array<i32>} : memref<128x128xf32, #tpu.memory_space<vmem>>, vector<1x16xf32>,
      %swap3A_175 = vector.shape_cast %swap3A_174 : vector<1x16xf32> to vector<16xf32>
      %swap3A_176 = vector.shape_cast %broadcast_in_dim3A_1 : vector<16xf32> to vector<1x16xf32>
      tpu.vector_store %arg11[%swap3A_172, %swap3A_173], %swap3A_176 {strides = array<i32>} : memref<128x128xf32, #tpu.memory_space<vmem>>, vector<1x16xf32>,
      %swap3A_177 = arith.index_cast %add3A_37 : i32 to index
      %swap3A_178 = arith.constant 112 : index
      %swap3A_179 = tpu.vector_load %arg8[%swap3A_177, %swap3A_178] {strides = array<i32>} : memref<128x128xf32, #tpu.memory_space<vmem>>, vector<1x16xf32>,
      %swap3A_180 = vector.shape_cast %swap3A_179 : vector<1x16xf32> to vector<16xf32>
      %swap3A_181 = vector.shape_cast %broadcast_in_dim3A_1 : vector<16xf32> to vector<1x16xf32>
      tpu.vector_store %arg8[%swap3A_177, %swap3A_178], %swap3A_181 {strides = array<i32>} : memref<128x128xf32, #tpu.memory_space<vmem>>, vector<1x16xf32>,
      %swap3A_182 = arith.index_cast %add3A_37 : i32 to index
      %swap3A_183 = arith.constant 112 : index
      %swap3A_184 = tpu.vector_load %arg9[%swap3A_182, %swap3A_183] {strides = array<i32>} : memref<128x128xf32, #tpu.memory_space<vmem>>, vector<1x16xf32>,
      %swap3A_185 = vector.shape_cast %swap3A_184 : vector<1x16xf32> to vector<16xf32>
      %swap3A_186 = vector.shape_cast %broadcast_in_dim3A_1 : vector<16xf32> to vector<1x16xf32>
      tpu.vector_store %arg9[%swap3A_182, %swap3A_183], %swap3A_186 {strides = array<i32>} : memref<128x128xf32, #tpu.memory_space<vmem>>, vector<1x16xf32>,
      %swap3A_187 = arith.index_cast %add3A_37 : i32 to index
      %swap3A_188 = arith.constant 112 : index
      %swap3A_189 = tpu.vector_load %arg10[%swap3A_187, %swap3A_188] {strides = array<i32>} : memref<128x128xf32, #tpu.memory_space<vmem>>, vector<1x16xf32>,
      %swap3A_190 = vector.shape_cast %swap3A_189 : vector<1x16xf32> to vector<16xf32>
      %swap3A_191 = vector.shape_cast %broadcast_in_dim3A_1 : vector<16xf32> to vector<1x16xf32>
      tpu.vector_store %arg10[%swap3A_187, %swap3A_188], %swap3A_191 {strides = array<i32>} : memref<128x128xf32, #tpu.memory_space<vmem>>, vector<1x16xf32>,
      %swap3A_192 = arith.index_cast %add3A_37 : i32 to index
      %swap3A_193 = arith.constant 112 : index
      %swap3A_194 = tpu.vector_load %arg11[%swap3A_192, %swap3A_193] {strides = array<i32>} : memref<128x128xf32, #tpu.memory_space<vmem>>, vector<1x16xf32>,
      %swap3A_195 = vector.shape_cast %swap3A_194 : vector<1x16xf32> to vector<16xf32>
      %swap3A_196 = vector.shape_cast %broadcast_in_dim3A_1 : vector<16xf32> to vector<1x16xf32>
      tpu.vector_store %arg11[%swap3A_192, %swap3A_193], %swap3A_196 {strides = array<i32>} : memref<128x128xf32, #tpu.memory_space<vmem>>, vector<1x16xf32>,
    }
    %scan3A_5 = arith.constant 128 : i32
    %scan3A_6 = arith.constant 0 : i32
    %scan3A_7 = arith.constant 25 : i32
    %scan3A_8 = arith.addi %scan3A_6, %scan3A_7 : i32
    %scan3A_9 = arith.constant 1 : i32
    scf.for %scan3A_33 = %scan3A_6 to %scan3A_8 step %scan3A_9  : i32 {
      %mul3A_34 = arith.constant 2 : i32
      %mul3A_35 = arith.muli %scan3A_33, %mul3A_34 : i32
      %add3A_36 = arith.constant 0 : i32
      %add3A_37 = arith.addi %add3A_36, %mul3A_35 : i32
      %mul3A_38 = arith.constant 128 : i32
      %mul3A_39 = arith.muli %add3A_37, %mul3A_38 : i32
      %dma_start3A = tpu.memref_slice %arg6[%mul3A_39] : memref<6400xi32, #tpu.memory_space<vmem>> -> memref<128xi32, #tpu.memory_space<vmem>>
      %dma_start3A_40 = arith.constant 0 : i32
      %dma_start3A_41 = arith.constant 0 : i32
      %dma_start3A_42 = tpu.memref_slice %arg4[%dma_start3A_40, %dma_start3A_41] : memref<100001x128xf32, #tpu.memory_space<hbm>> -> memref<100001x128xf32, #tpu.memory_space<hbm>>
      tpu.enqueue_indirect_dma source(%dma_start3A_42 : memref<100001x128xf32, #tpu.memory_space<hbm>>) target(%arg8 : memref<128x128xf32, #tpu.memory_space<vmem>>) offsets(%dma_start3A : memref<128xi32, #tpu.memory_space<vmem>>) semaphore(%arg12 : memref<!tpu.dma_semaphore, #tpu.memory_space<semaphore_mem>>) {add = true}
      %add3A_43 = arith.constant 1 : i32
      %add3A_44 = arith.addi %add3A_37, %add3A_43 : i32
      %mul3A_45 = arith.constant 128 : i32
      %mul3A_46 = arith.muli %add3A_44, %mul3A_45 : i32
      %dma_start3A_47 = tpu.memref_slice %arg6[%mul3A_46] : memref<6400xi32, #tpu.memory_space<vmem>> -> memref<128xi32, #tpu.memory_space<vmem>>
      %dma_start3A_48 = arith.constant 0 : i32
      %dma_start3A_49 = arith.constant 0 : i32
      %dma_start3A_50 = tpu.memref_slice %arg4[%dma_start3A_48, %dma_start3A_49] : memref<100001x128xf32, #tpu.memory_space<hbm>> -> memref<100001x128xf32, #tpu.memory_space<hbm>>
      tpu.enqueue_indirect_dma source(%dma_start3A_50 : memref<100001x128xf32, #tpu.memory_space<hbm>>) target(%arg9 : memref<128x128xf32, #tpu.memory_space<vmem>>) offsets(%dma_start3A_47 : memref<128xi32, #tpu.memory_space<vmem>>) semaphore(%arg12 : memref<!tpu.dma_semaphore, #tpu.memory_space<semaphore_mem>>) {add = true}
    }
    %scan3A_10 = arith.constant 25 : i32
    %scan3A_11 = arith.constant 0 : i32
    %scan3A_12 = arith.constant 10 : i32
    %scan3A_13 = arith.addi %scan3A_11, %scan3A_12 : i32
    %scan3A_14 = arith.constant 1 : i32
    scf.for %scan3A_33 = %scan3A_11 to %scan3A_13 step %scan3A_14  : i32 {
      %mul3A_34 = arith.constant 2 : i32
      %mul3A_35 = arith.muli %scan3A_33, %mul3A_34 : i32
      %add3A_36 = arith.constant 0 : i32
      %add3A_37 = arith.addi %add3A_36, %mul3A_35 : i32
      %mul3A_38 = arith.constant 128 : i32
      %mul3A_39 = arith.muli %add3A_37, %mul3A_38 : i32
      %dma_start3A = tpu.memref_slice %arg7[%mul3A_39] : memref<2560xi32, #tpu.memory_space<vmem>> -> memref<128xi32, #tpu.memory_space<vmem>>
      %dma_start3A_40 = arith.constant 0 : i32
      %dma_start3A_41 = arith.constant 0 : i32
      %dma_start3A_42 = tpu.memref_slice %arg4[%dma_start3A_40, %dma_start3A_41] : memref<100001x128xf32, #tpu.memory_space<hbm>> -> memref<100001x128xf32, #tpu.memory_space<hbm>>
      tpu.enqueue_indirect_dma source(%dma_start3A_42 : memref<100001x128xf32, #tpu.memory_space<hbm>>) target(%arg10 : memref<128x128xf32, #tpu.memory_space<vmem>>) offsets(%dma_start3A : memref<128xi32, #tpu.memory_space<vmem>>) semaphore(%arg13 : memref<!tpu.dma_semaphore, #tpu.memory_space<semaphore_mem>>) {add = true}
      %add3A_43 = arith.constant 1 : i32
      %add3A_44 = arith.addi %add3A_37, %add3A_43 : i32
      %mul3A_45 = arith.constant 128 : i32
      %mul3A_46 = arith.muli %add3A_44, %mul3A_45 : i32
      %dma_start3A_47 = tpu.memref_slice %arg7[%mul3A_46] : memref<2560xi32, #tpu.memory_space<vmem>> -> memref<128xi32, #tpu.memory_space<vmem>>
      %dma_start3A_48 = arith.constant 0 : i32
      %dma_start3A_49 = arith.constant 0 : i32
      %dma_start3A_50 = tpu.memref_slice %arg4[%dma_start3A_48, %dma_start3A_49] : memref<100001x128xf32, #tpu.memory_space<hbm>> -> memref<100001x128xf32, #tpu.memory_space<hbm>>
      tpu.enqueue_indirect_dma source(%dma_start3A_50 : memref<100001x128xf32, #tpu.memory_space<hbm>>) target(%arg11 : memref<128x128xf32, #tpu.memory_space<vmem>>) offsets(%dma_start3A_47 : memref<128xi32, #tpu.memory_space<vmem>>) semaphore(%arg13 : memref<!tpu.dma_semaphore, #tpu.memory_space<semaphore_mem>>) {add = true}
    }
    %scan3A_15 = arith.constant 10 : i32
    %scan3A_16 = arith.constant 0 : i32
    %scan3A_17 = arith.constant 50 : i32
    %scan3A_18 = arith.addi %scan3A_16, %scan3A_17 : i32
    %scan3A_19 = arith.constant 1 : i32
    scf.for %scan3A_33 = %scan3A_16 to %scan3A_18 step %scan3A_19  : i32 {
      %mul3A_34 = arith.constant 1 : i32
      %mul3A_35 = arith.muli %scan3A_33, %mul3A_34 : i32
      %add3A_36 = arith.constant 0 : i32
      %add3A_37 = arith.addi %add3A_36, %mul3A_35 : i32
      %dma_wait3A = arith.constant 0 : i32
      %dma_wait3A_38 = tpu.memref_slice %arg6[%dma_wait3A] : memref<6400xi32, #tpu.memory_space<vmem>> -> memref<128xi32, #tpu.memory_space<vmem>>
      %dma_wait3A_39 = arith.constant 0 : i32
      %dma_wait3A_40 = arith.constant 0 : i32
      %dma_wait3A_41 = tpu.memref_slice %arg4[%dma_wait3A_39, %dma_wait3A_40] : memref<100001x128xf32, #tpu.memory_space<hbm>> -> memref<100001x128xf32, #tpu.memory_space<hbm>>
      tpu.wait_indirect_dma semaphore(%arg12 : memref<!tpu.dma_semaphore, #tpu.memory_space<semaphore_mem>>) src(%dma_wait3A_41 : memref<100001x128xf32, #tpu.memory_space<hbm>>) dst(%arg8 : memref<128x128xf32, #tpu.memory_space<vmem>>)
    }
    %scan3A_20 = arith.constant 50 : i32
    %scan3A_21 = arith.constant 0 : i32
    %scan3A_22 = arith.constant 20 : i32
    %scan3A_23 = arith.addi %scan3A_21, %scan3A_22 : i32
    %scan3A_24 = arith.constant 1 : i32
    scf.for %scan3A_33 = %scan3A_21 to %scan3A_23 step %scan3A_24  : i32 {
      %mul3A_34 = arith.constant 1 : i32
      %mul3A_35 = arith.muli %scan3A_33, %mul3A_34 : i32
      %add3A_36 = arith.constant 0 : i32
      %add3A_37 = arith.addi %add3A_36, %mul3A_35 : i32
      %dma_wait3A = arith.constant 0 : i32
      %dma_wait3A_38 = tpu.memref_slice %arg7[%dma_wait3A] : memref<2560xi32, #tpu.memory_space<vmem>> -> memref<128xi32, #tpu.memory_space<vmem>>
      %dma_wait3A_39 = arith.constant 0 : i32
      %dma_wait3A_40 = arith.constant 0 : i32
      %dma_wait3A_41 = tpu.memref_slice %arg4[%dma_wait3A_39, %dma_wait3A_40] : memref<100001x128xf32, #tpu.memory_space<hbm>> -> memref<100001x128xf32, #tpu.memory_space<hbm>>
      tpu.wait_indirect_dma semaphore(%arg13 : memref<!tpu.dma_semaphore, #tpu.memory_space<semaphore_mem>>) src(%dma_wait3A_41 : memref<100001x128xf32, #tpu.memory_space<hbm>>) dst(%arg10 : memref<128x128xf32, #tpu.memory_space<vmem>>)
    }
    %scan3A_25 = arith.constant 20 : i32
    %scan3A_26 = arith.constant 0 : i32
    %scan3A_27 = arith.constant 128 : i32
    %scan3A_28 = arith.addi %scan3A_26, %scan3A_27 : i32
    %scan3A_29 = arith.constant 1 : i32
    scf.for %scan3A_33 = %scan3A_26 to %scan3A_28 step %scan3A_29  : i32 {
      %mul3A_34 = arith.constant 1 : i32
      %mul3A_35 = arith.muli %scan3A_33, %mul3A_34 : i32
      %add3A_36 = arith.constant 0 : i32
      %add3A_37 = arith.addi %add3A_36, %mul3A_35 : i32
      %get3A = arith.index_cast %add3A_37 : i32 to index
      %get3A_38 = arith.constant 0 : index
      %get3A_39 = tpu.vector_load %arg8[%get3A, %get3A_38] {strides = array<i32>} : memref<128x128xf32, #tpu.memory_space<vmem>>, vector<1x16xf32>,
      %get3A_40 = vector.shape_cast %get3A_39 : vector<1x16xf32> to vector<16xf32>
      %get3A_41 = arith.index_cast %add3A_37 : i32 to index
      %get3A_42 = arith.constant 0 : index
      %get3A_43 = tpu.vector_load %arg9[%get3A_41, %get3A_42] {strides = array<i32>} : memref<128x128xf32, #tpu.memory_space<vmem>>, vector<1x16xf32>,
      %get3A_44 = vector.shape_cast %get3A_43 : vector<1x16xf32> to vector<16xf32>
      %add3A_45 = arith.addf %get3A_40, %get3A_44 : vector<16xf32>
      %mul3A_46 = arith.constant 2.000000e-02 : f32
      %mul3A_47 = vector.broadcast %mul3A_46 : f32 to vector<16xf32>
      %mul3A_48 = arith.mulf %add3A_45, %mul3A_47 : vector<16xf32>
      %get3A_49 = arith.index_cast %add3A_37 : i32 to index
      %get3A_50 = arith.constant 0 : index
      %get3A_51 = tpu.vector_load %arg10[%get3A_49, %get3A_50] {strides = array<i32>} : memref<128x128xf32, #tpu.memory_space<vmem>>, vector<1x16xf32>,
      %get3A_52 = vector.shape_cast %get3A_51 : vector<1x16xf32> to vector<16xf32>
      %get3A_53 = arith.index_cast %add3A_37 : i32 to index
      %get3A_54 = arith.constant 0 : index
      %get3A_55 = tpu.vector_load %arg11[%get3A_53, %get3A_54] {strides = array<i32>} : memref<128x128xf32, #tpu.memory_space<vmem>>, vector<1x16xf32>,
      %get3A_56 = vector.shape_cast %get3A_55 : vector<1x16xf32> to vector<16xf32>
      %add3A_57 = arith.addf %get3A_52, %get3A_56 : vector<16xf32>
      %mul3A_58 = arith.constant 5.000000e-02 : f32
      %mul3A_59 = vector.broadcast %mul3A_58 : f32 to vector<16xf32>
      %mul3A_60 = arith.mulf %add3A_57, %mul3A_59 : vector<16xf32>
      %add3A_61 = arith.addf %mul3A_48, %mul3A_60 : vector<16xf32>
      %swap3A = arith.index_cast %add3A_37 : i32 to index
      %swap3A_62 = arith.constant 0 : index
      %swap3A_63 = tpu.vector_load %arg8[%swap3A, %swap3A_62] {strides = array<i32>} : memref<128x128xf32, #tpu.memory_space<vmem>>, vector<1x16xf32>,
      %swap3A_64 = vector.shape_cast %swap3A_63 : vector<1x16xf32> to vector<16xf32>
      %swap3A_65 = vector.shape_cast %add3A_61 : vector<16xf32> to vector<1x16xf32>
      tpu.vector_store %arg8[%swap3A, %swap3A_62], %swap3A_65 {strides = array<i32>} : memref<128x128xf32, #tpu.memory_space<vmem>>, vector<1x16xf32>,
      %get3A_66 = arith.index_cast %add3A_37 : i32 to index
      %get3A_67 = arith.constant 16 : index
      %get3A_68 = tpu.vector_load %arg8[%get3A_66, %get3A_67] {strides = array<i32>} : memref<128x128xf32, #tpu.memory_space<vmem>>, vector<1x16xf32>,
      %get3A_69 = vector.shape_cast %get3A_68 : vector<1x16xf32> to vector<16xf32>
      %get3A_70 = arith.index_cast %add3A_37 : i32 to index
      %get3A_71 = arith.constant 16 : index
      %get3A_72 = tpu.vector_load %arg9[%get3A_70, %get3A_71] {strides = array<i32>} : memref<128x128xf32, #tpu.memory_space<vmem>>, vector<1x16xf32>,
      %get3A_73 = vector.shape_cast %get3A_72 : vector<1x16xf32> to vector<16xf32>
      %add3A_74 = arith.addf %get3A_69, %get3A_73 : vector<16xf32>
      %mul3A_75 = arith.constant 2.000000e-02 : f32
      %mul3A_76 = vector.broadcast %mul3A_75 : f32 to vector<16xf32>
      %mul3A_77 = arith.mulf %add3A_74, %mul3A_76 : vector<16xf32>
      %get3A_78 = arith.index_cast %add3A_37 : i32 to index
      %get3A_79 = arith.constant 16 : index
      %get3A_80 = tpu.vector_load %arg10[%get3A_78, %get3A_79] {strides = array<i32>} : memref<128x128xf32, #tpu.memory_space<vmem>>, vector<1x16xf32>,
      %get3A_81 = vector.shape_cast %get3A_80 : vector<1x16xf32> to vector<16xf32>
      %get3A_82 = arith.index_cast %add3A_37 : i32 to index
      %get3A_83 = arith.constant 16 : index
      %get3A_84 = tpu.vector_load %arg11[%get3A_82, %get3A_83] {strides = array<i32>} : memref<128x128xf32, #tpu.memory_space<vmem>>, vector<1x16xf32>,
      %get3A_85 = vector.shape_cast %get3A_84 : vector<1x16xf32> to vector<16xf32>
      %add3A_86 = arith.addf %get3A_81, %get3A_85 : vector<16xf32>
      %mul3A_87 = arith.constant 5.000000e-02 : f32
      %mul3A_88 = vector.broadcast %mul3A_87 : f32 to vector<16xf32>
      %mul3A_89 = arith.mulf %add3A_86, %mul3A_88 : vector<16xf32>
      %add3A_90 = arith.addf %mul3A_77, %mul3A_89 : vector<16xf32>
      %swap3A_91 = arith.index_cast %add3A_37 : i32 to index
      %swap3A_92 = arith.constant 16 : index
      %swap3A_93 = tpu.vector_load %arg8[%swap3A_91, %swap3A_92] {strides = array<i32>} : memref<128x128xf32, #tpu.memory_space<vmem>>, vector<1x16xf32>,
      %swap3A_94 = vector.shape_cast %swap3A_93 : vector<1x16xf32> to vector<16xf32>
      %swap3A_95 = vector.shape_cast %add3A_90 : vector<16xf32> to vector<1x16xf32>
      tpu.vector_store %arg8[%swap3A_91, %swap3A_92], %swap3A_95 {strides = array<i32>} : memref<128x128xf32, #tpu.memory_space<vmem>>, vector<1x16xf32>,
      %get3A_96 = arith.index_cast %add3A_37 : i32 to index
      %get3A_97 = arith.constant 32 : index
      %get3A_98 = tpu.vector_load %arg8[%get3A_96, %get3A_97] {strides = array<i32>} : memref<128x128xf32, #tpu.memory_space<vmem>>, vector<1x16xf32>,
      %get3A_99 = vector.shape_cast %get3A_98 : vector<1x16xf32> to vector<16xf32>
      %get3A_100 = arith.index_cast %add3A_37 : i32 to index
      %get3A_101 = arith.constant 32 : index
      %get3A_102 = tpu.vector_load %arg9[%get3A_100, %get3A_101] {strides = array<i32>} : memref<128x128xf32, #tpu.memory_space<vmem>>, vector<1x16xf32>,
      %get3A_103 = vector.shape_cast %get3A_102 : vector<1x16xf32> to vector<16xf32>
      %add3A_104 = arith.addf %get3A_99, %get3A_103 : vector<16xf32>
      %mul3A_105 = arith.constant 2.000000e-02 : f32
      %mul3A_106 = vector.broadcast %mul3A_105 : f32 to vector<16xf32>
      %mul3A_107 = arith.mulf %add3A_104, %mul3A_106 : vector<16xf32>
      %get3A_108 = arith.index_cast %add3A_37 : i32 to index
      %get3A_109 = arith.constant 32 : index
      %get3A_110 = tpu.vector_load %arg10[%get3A_108, %get3A_109] {strides = array<i32>} : memref<128x128xf32, #tpu.memory_space<vmem>>, vector<1x16xf32>,
      %get3A_111 = vector.shape_cast %get3A_110 : vector<1x16xf32> to vector<16xf32>
      %get3A_112 = arith.index_cast %add3A_37 : i32 to index
      %get3A_113 = arith.constant 32 : index
      %get3A_114 = tpu.vector_load %arg11[%get3A_112, %get3A_113] {strides = array<i32>} : memref<128x128xf32, #tpu.memory_space<vmem>>, vector<1x16xf32>,
      %get3A_115 = vector.shape_cast %get3A_114 : vector<1x16xf32> to vector<16xf32>
      %add3A_116 = arith.addf %get3A_111, %get3A_115 : vector<16xf32>
      %mul3A_117 = arith.constant 5.000000e-02 : f32
      %mul3A_118 = vector.broadcast %mul3A_117 : f32 to vector<16xf32>
      %mul3A_119 = arith.mulf %add3A_116, %mul3A_118 : vector<16xf32>
      %add3A_120 = arith.addf %mul3A_107, %mul3A_119 : vector<16xf32>
      %swap3A_121 = arith.index_cast %add3A_37 : i32 to index
      %swap3A_122 = arith.constant 32 : index
      %swap3A_123 = tpu.vector_load %arg8[%swap3A_121, %swap3A_122] {strides = array<i32>} : memref<128x128xf32, #tpu.memory_space<vmem>>, vector<1x16xf32>,
      %swap3A_124 = vector.shape_cast %swap3A_123 : vector<1x16xf32> to vector<16xf32>
      %swap3A_125 = vector.shape_cast %add3A_120 : vector<16xf32> to vector<1x16xf32>
      tpu.vector_store %arg8[%swap3A_121, %swap3A_122], %swap3A_125 {strides = array<i32>} : memref<128x128xf32, #tpu.memory_space<vmem>>, vector<1x16xf32>,
      %get3A_126 = arith.index_cast %add3A_37 : i32 to index
      %get3A_127 = arith.constant 48 : index
      %get3A_128 = tpu.vector_load %arg8[%get3A_126, %get3A_127] {strides = array<i32>} : memref<128x128xf32, #tpu.memory_space<vmem>>, vector<1x16xf32>,
      %get3A_129 = vector.shape_cast %get3A_128 : vector<1x16xf32> to vector<16xf32>
      %get3A_130 = arith.index_cast %add3A_37 : i32 to index
      %get3A_131 = arith.constant 48 : index
      %get3A_132 = tpu.vector_load %arg9[%get3A_130, %get3A_131] {strides = array<i32>} : memref<128x128xf32, #tpu.memory_space<vmem>>, vector<1x16xf32>,
      %get3A_133 = vector.shape_cast %get3A_132 : vector<1x16xf32> to vector<16xf32>
      %add3A_134 = arith.addf %get3A_129, %get3A_133 : vector<16xf32>
      %mul3A_135 = arith.constant 2.000000e-02 : f32
      %mul3A_136 = vector.broadcast %mul3A_135 : f32 to vector<16xf32>
      %mul3A_137 = arith.mulf %add3A_134, %mul3A_136 : vector<16xf32>
      %get3A_138 = arith.index_cast %add3A_37 : i32 to index
      %get3A_139 = arith.constant 48 : index
      %get3A_140 = tpu.vector_load %arg10[%get3A_138, %get3A_139] {strides = array<i32>} : memref<128x128xf32, #tpu.memory_space<vmem>>, vector<1x16xf32>,
      %get3A_141 = vector.shape_cast %get3A_140 : vector<1x16xf32> to vector<16xf32>
      %get3A_142 = arith.index_cast %add3A_37 : i32 to index
      %get3A_143 = arith.constant 48 : index
      %get3A_144 = tpu.vector_load %arg11[%get3A_142, %get3A_143] {strides = array<i32>} : memref<128x128xf32, #tpu.memory_space<vmem>>, vector<1x16xf32>,
      %get3A_145 = vector.shape_cast %get3A_144 : vector<1x16xf32> to vector<16xf32>
      %add3A_146 = arith.addf %get3A_141, %get3A_145 : vector<16xf32>
      %mul3A_147 = arith.constant 5.000000e-02 : f32
      %mul3A_148 = vector.broadcast %mul3A_147 : f32 to vector<16xf32>
      %mul3A_149 = arith.mulf %add3A_146, %mul3A_148 : vector<16xf32>
      %add3A_150 = arith.addf %mul3A_137, %mul3A_149 : vector<16xf32>
      %swap3A_151 = arith.index_cast %add3A_37 : i32 to index
      %swap3A_152 = arith.constant 48 : index
      %swap3A_153 = tpu.vector_load %arg8[%swap3A_151, %swap3A_152] {strides = array<i32>} : memref<128x128xf32, #tpu.memory_space<vmem>>, vector<1x16xf32>,
      %swap3A_154 = vector.shape_cast %swap3A_153 : vector<1x16xf32> to vector<16xf32>
      %swap3A_155 = vector.shape_cast %add3A_150 : vector<16xf32> to vector<1x16xf32>
      tpu.vector_store %arg8[%swap3A_151, %swap3A_152], %swap3A_155 {strides = array<i32>} : memref<128x128xf32, #tpu.memory_space<vmem>>, vector<1x16xf32>,
      %get3A_156 = arith.index_cast %add3A_37 : i32 to index
      %get3A_157 = arith.constant 64 : index
      %get3A_158 = tpu.vector_load %arg8[%get3A_156, %get3A_157] {strides = array<i32>} : memref<128x128xf32, #tpu.memory_space<vmem>>, vector<1x16xf32>,
      %get3A_159 = vector.shape_cast %get3A_158 : vector<1x16xf32> to vector<16xf32>
      %get3A_160 = arith.index_cast %add3A_37 : i32 to index
      %get3A_161 = arith.constant 64 : index
      %get3A_162 = tpu.vector_load %arg9[%get3A_160, %get3A_161] {strides = array<i32>} : memref<128x128xf32, #tpu.memory_space<vmem>>, vector<1x16xf32>,
      %get3A_163 = vector.shape_cast %get3A_162 : vector<1x16xf32> to vector<16xf32>
      %add3A_164 = arith.addf %get3A_159, %get3A_163 : vector<16xf32>
      %mul3A_165 = arith.constant 2.000000e-02 : f32
      %mul3A_166 = vector.broadcast %mul3A_165 : f32 to vector<16xf32>
      %mul3A_167 = arith.mulf %add3A_164, %mul3A_166 : vector<16xf32>
      %get3A_168 = arith.index_cast %add3A_37 : i32 to index
      %get3A_169 = arith.constant 64 : index
      %get3A_170 = tpu.vector_load %arg10[%get3A_168, %get3A_169] {strides = array<i32>} : memref<128x128xf32, #tpu.memory_space<vmem>>, vector<1x16xf32>,
      %get3A_171 = vector.shape_cast %get3A_170 : vector<1x16xf32> to vector<16xf32>
      %get3A_172 = arith.index_cast %add3A_37 : i32 to index
      %get3A_173 = arith.constant 64 : index
      %get3A_174 = tpu.vector_load %arg11[%get3A_172, %get3A_173] {strides = array<i32>} : memref<128x128xf32, #tpu.memory_space<vmem>>, vector<1x16xf32>,
      %get3A_175 = vector.shape_cast %get3A_174 : vector<1x16xf32> to vector<16xf32>
      %add3A_176 = arith.addf %get3A_171, %get3A_175 : vector<16xf32>
      %mul3A_177 = arith.constant 5.000000e-02 : f32
      %mul3A_178 = vector.broadcast %mul3A_177 : f32 to vector<16xf32>
      %mul3A_179 = arith.mulf %add3A_176, %mul3A_178 : vector<16xf32>
      %add3A_180 = arith.addf %mul3A_167, %mul3A_179 : vector<16xf32>
      %swap3A_181 = arith.index_cast %add3A_37 : i32 to index
      %swap3A_182 = arith.constant 64 : index
      %swap3A_183 = tpu.vector_load %arg8[%swap3A_181, %swap3A_182] {strides = array<i32>} : memref<128x128xf32, #tpu.memory_space<vmem>>, vector<1x16xf32>,
      %swap3A_184 = vector.shape_cast %swap3A_183 : vector<1x16xf32> to vector<16xf32>
      %swap3A_185 = vector.shape_cast %add3A_180 : vector<16xf32> to vector<1x16xf32>
      tpu.vector_store %arg8[%swap3A_181, %swap3A_182], %swap3A_185 {strides = array<i32>} : memref<128x128xf32, #tpu.memory_space<vmem>>, vector<1x16xf32>,
      %get3A_186 = arith.index_cast %add3A_37 : i32 to index
      %get3A_187 = arith.constant 80 : index
      %get3A_188 = tpu.vector_load %arg8[%get3A_186, %get3A_187] {strides = array<i32>} : memref<128x128xf32, #tpu.memory_space<vmem>>, vector<1x16xf32>,
      %get3A_189 = vector.shape_cast %get3A_188 : vector<1x16xf32> to vector<16xf32>
      %get3A_190 = arith.index_cast %add3A_37 : i32 to index
      %get3A_191 = arith.constant 80 : index
      %get3A_192 = tpu.vector_load %arg9[%get3A_190, %get3A_191] {strides = array<i32>} : memref<128x128xf32, #tpu.memory_space<vmem>>, vector<1x16xf32>,
      %get3A_193 = vector.shape_cast %get3A_192 : vector<1x16xf32> to vector<16xf32>
      %add3A_194 = arith.addf %get3A_189, %get3A_193 : vector<16xf32>
      %mul3A_195 = arith.constant 2.000000e-02 : f32
      %mul3A_196 = vector.broadcast %mul3A_195 : f32 to vector<16xf32>
      %mul3A_197 = arith.mulf %add3A_194, %mul3A_196 : vector<16xf32>
      %get3A_198 = arith.index_cast %add3A_37 : i32 to index
      %get3A_199 = arith.constant 80 : index
      %get3A_200 = tpu.vector_load %arg10[%get3A_198, %get3A_199] {strides = array<i32>} : memref<128x128xf32, #tpu.memory_space<vmem>>, vector<1x16xf32>,
      %get3A_201 = vector.shape_cast %get3A_200 : vector<1x16xf32> to vector<16xf32>
      %get3A_202 = arith.index_cast %add3A_37 : i32 to index
      %get3A_203 = arith.constant 80 : index
      %get3A_204 = tpu.vector_load %arg11[%get3A_202, %get3A_203] {strides = array<i32>} : memref<128x128xf32, #tpu.memory_space<vmem>>, vector<1x16xf32>,
      %get3A_205 = vector.shape_cast %get3A_204 : vector<1x16xf32> to vector<16xf32>
      %add3A_206 = arith.addf %get3A_201, %get3A_205 : vector<16xf32>
      %mul3A_207 = arith.constant 5.000000e-02 : f32
      %mul3A_208 = vector.broadcast %mul3A_207 : f32 to vector<16xf32>
      %mul3A_209 = arith.mulf %add3A_206, %mul3A_208 : vector<16xf32>
      %add3A_210 = arith.addf %mul3A_197, %mul3A_209 : vector<16xf32>
      %swap3A_211 = arith.index_cast %add3A_37 : i32 to index
      %swap3A_212 = arith.constant 80 : index
      %swap3A_213 = tpu.vector_load %arg8[%swap3A_211, %swap3A_212] {strides = array<i32>} : memref<128x128xf32, #tpu.memory_space<vmem>>, vector<1x16xf32>,
      %swap3A_214 = vector.shape_cast %swap3A_213 : vector<1x16xf32> to vector<16xf32>
      %swap3A_215 = vector.shape_cast %add3A_210 : vector<16xf32> to vector<1x16xf32>
      tpu.vector_store %arg8[%swap3A_211, %swap3A_212], %swap3A_215 {strides = array<i32>} : memref<128x128xf32, #tpu.memory_space<vmem>>, vector<1x16xf32>,
      %get3A_216 = arith.index_cast %add3A_37 : i32 to index
      %get3A_217 = arith.constant 96 : index
      %get3A_218 = tpu.vector_load %arg8[%get3A_216, %get3A_217] {strides = array<i32>} : memref<128x128xf32, #tpu.memory_space<vmem>>, vector<1x16xf32>,
      %get3A_219 = vector.shape_cast %get3A_218 : vector<1x16xf32> to vector<16xf32>
      %get3A_220 = arith.index_cast %add3A_37 : i32 to index
      %get3A_221 = arith.constant 96 : index
      %get3A_222 = tpu.vector_load %arg9[%get3A_220, %get3A_221] {strides = array<i32>} : memref<128x128xf32, #tpu.memory_space<vmem>>, vector<1x16xf32>,
      %get3A_223 = vector.shape_cast %get3A_222 : vector<1x16xf32> to vector<16xf32>
      %add3A_224 = arith.addf %get3A_219, %get3A_223 : vector<16xf32>
      %mul3A_225 = arith.constant 2.000000e-02 : f32
      %mul3A_226 = vector.broadcast %mul3A_225 : f32 to vector<16xf32>
      %mul3A_227 = arith.mulf %add3A_224, %mul3A_226 : vector<16xf32>
      %get3A_228 = arith.index_cast %add3A_37 : i32 to index
      %get3A_229 = arith.constant 96 : index
      %get3A_230 = tpu.vector_load %arg10[%get3A_228, %get3A_229] {strides = array<i32>} : memref<128x128xf32, #tpu.memory_space<vmem>>, vector<1x16xf32>,
      %get3A_231 = vector.shape_cast %get3A_230 : vector<1x16xf32> to vector<16xf32>
      %get3A_232 = arith.index_cast %add3A_37 : i32 to index
      %get3A_233 = arith.constant 96 : index
      %get3A_234 = tpu.vector_load %arg11[%get3A_232, %get3A_233] {strides = array<i32>} : memref<128x128xf32, #tpu.memory_space<vmem>>, vector<1x16xf32>,
      %get3A_235 = vector.shape_cast %get3A_234 : vector<1x16xf32> to vector<16xf32>
      %add3A_236 = arith.addf %get3A_231, %get3A_235 : vector<16xf32>
      %mul3A_237 = arith.constant 5.000000e-02 : f32
      %mul3A_238 = vector.broadcast %mul3A_237 : f32 to vector<16xf32>
      %mul3A_239 = arith.mulf %add3A_236, %mul3A_238 : vector<16xf32>
      %add3A_240 = arith.addf %mul3A_227, %mul3A_239 : vector<16xf32>
      %swap3A_241 = arith.index_cast %add3A_37 : i32 to index
      %swap3A_242 = arith.constant 96 : index
      %swap3A_243 = tpu.vector_load %arg8[%swap3A_241, %swap3A_242] {strides = array<i32>} : memref<128x128xf32, #tpu.memory_space<vmem>>, vector<1x16xf32>,
      %swap3A_244 = vector.shape_cast %swap3A_243 : vector<1x16xf32> to vector<16xf32>
      %swap3A_245 = vector.shape_cast %add3A_240 : vector<16xf32> to vector<1x16xf32>
      tpu.vector_store %arg8[%swap3A_241, %swap3A_242], %swap3A_245 {strides = array<i32>} : memref<128x128xf32, #tpu.memory_space<vmem>>, vector<1x16xf32>,
      %get3A_246 = arith.index_cast %add3A_37 : i32 to index
      %get3A_247 = arith.constant 112 : index
      %get3A_248 = tpu.vector_load %arg8[%get3A_246, %get3A_247] {strides = array<i32>} : memref<128x128xf32, #tpu.memory_space<vmem>>, vector<1x16xf32>,
      %get3A_249 = vector.shape_cast %get3A_248 : vector<1x16xf32> to vector<16xf32>
      %get3A_250 = arith.index_cast %add3A_37 : i32 to index
      %get3A_251 = arith.constant 112 : index
      %get3A_252 = tpu.vector_load %arg9[%get3A_250, %get3A_251] {strides = array<i32>} : memref<128x128xf32, #tpu.memory_space<vmem>>, vector<1x16xf32>,
      %get3A_253 = vector.shape_cast %get3A_252 : vector<1x16xf32> to vector<16xf32>
      %add3A_254 = arith.addf %get3A_249, %get3A_253 : vector<16xf32>
      %mul3A_255 = arith.constant 2.000000e-02 : f32
      %mul3A_256 = vector.broadcast %mul3A_255 : f32 to vector<16xf32>
      %mul3A_257 = arith.mulf %add3A_254, %mul3A_256 : vector<16xf32>
      %get3A_258 = arith.index_cast %add3A_37 : i32 to index
      %get3A_259 = arith.constant 112 : index
      %get3A_260 = tpu.vector_load %arg10[%get3A_258, %get3A_259] {strides = array<i32>} : memref<128x128xf32, #tpu.memory_space<vmem>>, vector<1x16xf32>,
      %get3A_261 = vector.shape_cast %get3A_260 : vector<1x16xf32> to vector<16xf32>
      %get3A_262 = arith.index_cast %add3A_37 : i32 to index
      %get3A_263 = arith.constant 112 : index
      %get3A_264 = tpu.vector_load %arg11[%get3A_262, %get3A_263] {strides = array<i32>} : memref<128x128xf32, #tpu.memory_space<vmem>>, vector<1x16xf32>,
      %get3A_265 = vector.shape_cast %get3A_264 : vector<1x16xf32> to vector<16xf32>
      %add3A_266 = arith.addf %get3A_261, %get3A_265 : vector<16xf32>
      %mul3A_267 = arith.constant 5.000000e-02 : f32
      %mul3A_268 = vector.broadcast %mul3A_267 : f32 to vector<16xf32>
      %mul3A_269 = arith.mulf %add3A_266, %mul3A_268 : vector<16xf32>
      %add3A_270 = arith.addf %mul3A_257, %mul3A_269 : vector<16xf32>
      %swap3A_271 = arith.index_cast %add3A_37 : i32 to index
      %swap3A_272 = arith.constant 112 : index
      %swap3A_273 = tpu.vector_load %arg8[%swap3A_271, %swap3A_272] {strides = array<i32>} : memref<128x128xf32, #tpu.memory_space<vmem>>, vector<1x16xf32>,
      %swap3A_274 = vector.shape_cast %swap3A_273 : vector<1x16xf32> to vector<16xf32>
      %swap3A_275 = vector.shape_cast %add3A_270 : vector<16xf32> to vector<1x16xf32>
      tpu.vector_store %arg8[%swap3A_271, %swap3A_272], %swap3A_275 {strides = array<i32>} : memref<128x128xf32, #tpu.memory_space<vmem>>, vector<1x16xf32>,
    }
    %scan3A_30 = arith.constant 128 : i32
    %mul3A_31 = arith.constant 128 : i32
    %mul3A_32 = arith.muli %add3A, %mul3A_31 : i32
    "tpu.region"() ({
      %run_scoped3A = tpu.sem_alloc : memref<!tpu.dma_semaphore, #tpu.memory_space<semaphore_mem>>
      %dma_start3A = arith.constant 0 : i32
      %dma_start3A_33 = tpu.memref_slice %arg5[%mul3A_32, %dma_start3A] : memref<4096x128xf32, #tpu.memory_space<hbm>> -> memref<128x128xf32, #tpu.memory_space<hbm>>
      %dma_start3A_34 = arith.constant 0 : i32
      %dma_start3A_35 = tpu.memref_slice %arg5[%mul3A_32, %dma_start3A_34] : memref<4096x128xf32, #tpu.memory_space<hbm>> -> memref<128x128xf32, #tpu.memory_space<hbm>>
      tpu.enqueue_dma source(%arg8 : memref<128x128xf32, #tpu.memory_space<vmem>>) target(%dma_start3A_35 : memref<128x128xf32, #tpu.memory_space<hbm>>) target_semaphore(%run_scoped3A : memref<!tpu.dma_semaphore, #tpu.memory_space<semaphore_mem>>)
      %dma_wait3A = arith.constant 0 : i32
      %dma_wait3A_36 = tpu.memref_slice %arg5[%mul3A_32, %dma_wait3A] : memref<4096x128xf32, #tpu.memory_space<hbm>> -> memref<128x128xf32, #tpu.memory_space<hbm>>
      %dma_wait3A_37 = arith.constant 0 : i32
      %dma_wait3A_38 = tpu.memref_slice %arg5[%mul3A_32, %dma_wait3A_37] : memref<4096x128xf32, #tpu.memory_space<hbm>> -> memref<128x128xf32, #tpu.memory_space<hbm>>
      tpu.wait_dma2 semaphore(%run_scoped3A : memref<!tpu.dma_semaphore, #tpu.memory_space<semaphore_mem>>) src(%arg8 : memref<128x128xf32, #tpu.memory_space<vmem>>) dst(%dma_wait3A_38 : memref<128x128xf32, #tpu.memory_space<hbm>>)
      tpu.yield
    }) : () -> ()
    return
  }
}

#map = affine_map<(d0, d1) -> (0, 0)>
module attributes {stable_mosaic.version = 14 : i64} {
  func.func @_item_pool(%arg0: i32, %arg1: i32, %arg2: memref<32x1664xi32, #tpu.memory_space<hbm>>, %arg3: memref<100001x128xf32, #tpu.memory_space<hbm>>, %arg4: memref<100001x128xf32, #tpu.memory_space<hbm>>, %arg5: memref<1001x128xf32, #tpu.memory_space<hbm>>, %arg6: memref<100001x128xf32, #tpu.memory_space<hbm>>, %arg7: memref<4096x128xf32, #tpu.memory_space<hbm>>, %arg8: memref<1664xi32, #tpu.memory_space<vmem>>, %arg9: memref<128x128xf32, #tpu.memory_space<vmem>>, %arg10: memref<128x128xf32, #tpu.memory_space<vmem>>, %arg11: memref<!tpu.dma_semaphore, #tpu.memory_space<semaphore_mem>>, %arg12: memref<!tpu.dma_semaphore, #tpu.memory_space<semaphore_mem>>) attributes {dimension_semantics = [#tpu.dimension_semantics<core_parallel>, #tpu.dimension_semantics<subcore_parallel>], iteration_bounds = array<i64: 2, 16>, scalar_prefetch = 0 : i64, scratch_operands = 5 : i64, tpu.core_type = #tpu.core_type<sc_vector_subcore>, window_params = [{transform_indices = #map}, {transform_indices = #map}, {transform_indices = #map}, {transform_indices = #map}, {transform_indices = #map}, {transform_indices = #map}]} {
    %mul3A = arith.constant 2 : i32
    %mul3A_0 = arith.muli %arg1, %mul3A : i32
    %add3A = arith.addi %mul3A_0, %arg0 : i32
    "tpu.region"() ({
      %run_scoped3A = tpu.sem_alloc : memref<!tpu.dma_semaphore, #tpu.memory_space<semaphore_mem>>
      %dma_start3A_51 = arith.constant 0 : i32
      %dma_start3A_52 = tpu.memref_slice %arg2[%add3A, %dma_start3A_51] : memref<32x1664xi32, #tpu.memory_space<hbm>> -> memref<1x1664xi32, #tpu.memory_space<hbm>>
      %dma_start3A_53 = tpu.memref_squeeze %dma_start3A_52 : memref<1x1664xi32, #tpu.memory_space<hbm>> -> memref<1664xi32, #tpu.memory_space<hbm>>
      %dma_start3A_54 = arith.constant 0 : i32
      %dma_start3A_55 = tpu.memref_slice %arg2[%add3A, %dma_start3A_54] : memref<32x1664xi32, #tpu.memory_space<hbm>> -> memref<1x1664xi32, #tpu.memory_space<hbm>>
      %dma_start3A_56 = tpu.memref_squeeze %dma_start3A_55 : memref<1x1664xi32, #tpu.memory_space<hbm>> -> memref<1664xi32, #tpu.memory_space<hbm>>
      tpu.enqueue_dma source(%dma_start3A_56 : memref<1664xi32, #tpu.memory_space<hbm>>) target(%arg8 : memref<1664xi32, #tpu.memory_space<vmem>>) target_semaphore(%run_scoped3A : memref<!tpu.dma_semaphore, #tpu.memory_space<semaphore_mem>>)
      %dma_wait3A_57 = arith.constant 0 : i32
      %dma_wait3A_58 = tpu.memref_slice %arg2[%add3A, %dma_wait3A_57] : memref<32x1664xi32, #tpu.memory_space<hbm>> -> memref<1x1664xi32, #tpu.memory_space<hbm>>
      %dma_wait3A_59 = tpu.memref_squeeze %dma_wait3A_58 : memref<1x1664xi32, #tpu.memory_space<hbm>> -> memref<1664xi32, #tpu.memory_space<hbm>>
      %dma_wait3A_60 = arith.constant 0 : i32
      %dma_wait3A_61 = tpu.memref_slice %arg2[%add3A, %dma_wait3A_60] : memref<32x1664xi32, #tpu.memory_space<hbm>> -> memref<1x1664xi32, #tpu.memory_space<hbm>>
      %dma_wait3A_62 = tpu.memref_squeeze %dma_wait3A_61 : memref<1x1664xi32, #tpu.memory_space<hbm>> -> memref<1664xi32, #tpu.memory_space<hbm>>
      tpu.wait_dma2 semaphore(%run_scoped3A : memref<!tpu.dma_semaphore, #tpu.memory_space<semaphore_mem>>) src(%dma_wait3A_62 : memref<1664xi32, #tpu.memory_space<hbm>>) dst(%arg8 : memref<1664xi32, #tpu.memory_space<vmem>>)
      tpu.yield
    }) : () -> ()
    %broadcast_in_dim3A = arith.constant 0.000000e+00 : f32
    %broadcast_in_dim3A_1 = vector.broadcast %broadcast_in_dim3A : f32 to vector<16xf32>
    %scan3A = arith.constant 0 : i32
    %scan3A_2 = arith.constant 128 : i32
    %scan3A_3 = arith.addi %scan3A, %scan3A_2 : i32
    %scan3A_4 = arith.constant 1 : i32
    scf.for %scan3A_51 = %scan3A to %scan3A_3 step %scan3A_4  : i32 {
      %mul3A_52 = arith.constant 1 : i32
      %mul3A_53 = arith.muli %scan3A_51, %mul3A_52 : i32
      %add3A_54 = arith.constant 0 : i32
      %add3A_55 = arith.addi %add3A_54, %mul3A_53 : i32
      %swap3A = arith.index_cast %add3A_55 : i32 to index
      %swap3A_56 = arith.constant 0 : index
      %swap3A_57 = tpu.vector_load %arg9[%swap3A, %swap3A_56] {strides = array<i32>} : memref<128x128xf32, #tpu.memory_space<vmem>>, vector<1x16xf32>,
      %swap3A_58 = vector.shape_cast %swap3A_57 : vector<1x16xf32> to vector<16xf32>
      %swap3A_59 = vector.shape_cast %broadcast_in_dim3A_1 : vector<16xf32> to vector<1x16xf32>
      tpu.vector_store %arg9[%swap3A, %swap3A_56], %swap3A_59 {strides = array<i32>} : memref<128x128xf32, #tpu.memory_space<vmem>>, vector<1x16xf32>,
      %swap3A_60 = arith.index_cast %add3A_55 : i32 to index
      %swap3A_61 = arith.constant 0 : index
      %swap3A_62 = tpu.vector_load %arg10[%swap3A_60, %swap3A_61] {strides = array<i32>} : memref<128x128xf32, #tpu.memory_space<vmem>>, vector<1x16xf32>,
      %swap3A_63 = vector.shape_cast %swap3A_62 : vector<1x16xf32> to vector<16xf32>
      %swap3A_64 = vector.shape_cast %broadcast_in_dim3A_1 : vector<16xf32> to vector<1x16xf32>
      tpu.vector_store %arg10[%swap3A_60, %swap3A_61], %swap3A_64 {strides = array<i32>} : memref<128x128xf32, #tpu.memory_space<vmem>>, vector<1x16xf32>,
      %swap3A_65 = arith.index_cast %add3A_55 : i32 to index
      %swap3A_66 = arith.constant 16 : index
      %swap3A_67 = tpu.vector_load %arg9[%swap3A_65, %swap3A_66] {strides = array<i32>} : memref<128x128xf32, #tpu.memory_space<vmem>>, vector<1x16xf32>,
      %swap3A_68 = vector.shape_cast %swap3A_67 : vector<1x16xf32> to vector<16xf32>
      %swap3A_69 = vector.shape_cast %broadcast_in_dim3A_1 : vector<16xf32> to vector<1x16xf32>
      tpu.vector_store %arg9[%swap3A_65, %swap3A_66], %swap3A_69 {strides = array<i32>} : memref<128x128xf32, #tpu.memory_space<vmem>>, vector<1x16xf32>,
      %swap3A_70 = arith.index_cast %add3A_55 : i32 to index
      %swap3A_71 = arith.constant 16 : index
      %swap3A_72 = tpu.vector_load %arg10[%swap3A_70, %swap3A_71] {strides = array<i32>} : memref<128x128xf32, #tpu.memory_space<vmem>>, vector<1x16xf32>,
      %swap3A_73 = vector.shape_cast %swap3A_72 : vector<1x16xf32> to vector<16xf32>
      %swap3A_74 = vector.shape_cast %broadcast_in_dim3A_1 : vector<16xf32> to vector<1x16xf32>
      tpu.vector_store %arg10[%swap3A_70, %swap3A_71], %swap3A_74 {strides = array<i32>} : memref<128x128xf32, #tpu.memory_space<vmem>>, vector<1x16xf32>,
      %swap3A_75 = arith.index_cast %add3A_55 : i32 to index
      %swap3A_76 = arith.constant 32 : index
      %swap3A_77 = tpu.vector_load %arg9[%swap3A_75, %swap3A_76] {strides = array<i32>} : memref<128x128xf32, #tpu.memory_space<vmem>>, vector<1x16xf32>,
      %swap3A_78 = vector.shape_cast %swap3A_77 : vector<1x16xf32> to vector<16xf32>
      %swap3A_79 = vector.shape_cast %broadcast_in_dim3A_1 : vector<16xf32> to vector<1x16xf32>
      tpu.vector_store %arg9[%swap3A_75, %swap3A_76], %swap3A_79 {strides = array<i32>} : memref<128x128xf32, #tpu.memory_space<vmem>>, vector<1x16xf32>,
      %swap3A_80 = arith.index_cast %add3A_55 : i32 to index
      %swap3A_81 = arith.constant 32 : index
      %swap3A_82 = tpu.vector_load %arg10[%swap3A_80, %swap3A_81] {strides = array<i32>} : memref<128x128xf32, #tpu.memory_space<vmem>>, vector<1x16xf32>,
      %swap3A_83 = vector.shape_cast %swap3A_82 : vector<1x16xf32> to vector<16xf32>
      %swap3A_84 = vector.shape_cast %broadcast_in_dim3A_1 : vector<16xf32> to vector<1x16xf32>
      tpu.vector_store %arg10[%swap3A_80, %swap3A_81], %swap3A_84 {strides = array<i32>} : memref<128x128xf32, #tpu.memory_space<vmem>>, vector<1x16xf32>,
      %swap3A_85 = arith.index_cast %add3A_55 : i32 to index
      %swap3A_86 = arith.constant 48 : index
      %swap3A_87 = tpu.vector_load %arg9[%swap3A_85, %swap3A_86] {strides = array<i32>} : memref<128x128xf32, #tpu.memory_space<vmem>>, vector<1x16xf32>,
      %swap3A_88 = vector.shape_cast %swap3A_87 : vector<1x16xf32> to vector<16xf32>
      %swap3A_89 = vector.shape_cast %broadcast_in_dim3A_1 : vector<16xf32> to vector<1x16xf32>
      tpu.vector_store %arg9[%swap3A_85, %swap3A_86], %swap3A_89 {strides = array<i32>} : memref<128x128xf32, #tpu.memory_space<vmem>>, vector<1x16xf32>,
      %swap3A_90 = arith.index_cast %add3A_55 : i32 to index
      %swap3A_91 = arith.constant 48 : index
      %swap3A_92 = tpu.vector_load %arg10[%swap3A_90, %swap3A_91] {strides = array<i32>} : memref<128x128xf32, #tpu.memory_space<vmem>>, vector<1x16xf32>,
      %swap3A_93 = vector.shape_cast %swap3A_92 : vector<1x16xf32> to vector<16xf32>
      %swap3A_94 = vector.shape_cast %broadcast_in_dim3A_1 : vector<16xf32> to vector<1x16xf32>
      tpu.vector_store %arg10[%swap3A_90, %swap3A_91], %swap3A_94 {strides = array<i32>} : memref<128x128xf32, #tpu.memory_space<vmem>>, vector<1x16xf32>,
      %swap3A_95 = arith.index_cast %add3A_55 : i32 to index
      %swap3A_96 = arith.constant 64 : index
      %swap3A_97 = tpu.vector_load %arg9[%swap3A_95, %swap3A_96] {strides = array<i32>} : memref<128x128xf32, #tpu.memory_space<vmem>>, vector<1x16xf32>,
      %swap3A_98 = vector.shape_cast %swap3A_97 : vector<1x16xf32> to vector<16xf32>
      %swap3A_99 = vector.shape_cast %broadcast_in_dim3A_1 : vector<16xf32> to vector<1x16xf32>
      tpu.vector_store %arg9[%swap3A_95, %swap3A_96], %swap3A_99 {strides = array<i32>} : memref<128x128xf32, #tpu.memory_space<vmem>>, vector<1x16xf32>,
      %swap3A_100 = arith.index_cast %add3A_55 : i32 to index
      %swap3A_101 = arith.constant 64 : index
      %swap3A_102 = tpu.vector_load %arg10[%swap3A_100, %swap3A_101] {strides = array<i32>} : memref<128x128xf32, #tpu.memory_space<vmem>>, vector<1x16xf32>,
      %swap3A_103 = vector.shape_cast %swap3A_102 : vector<1x16xf32> to vector<16xf32>
      %swap3A_104 = vector.shape_cast %broadcast_in_dim3A_1 : vector<16xf32> to vector<1x16xf32>
      tpu.vector_store %arg10[%swap3A_100, %swap3A_101], %swap3A_104 {strides = array<i32>} : memref<128x128xf32, #tpu.memory_space<vmem>>, vector<1x16xf32>,
      %swap3A_105 = arith.index_cast %add3A_55 : i32 to index
      %swap3A_106 = arith.constant 80 : index
      %swap3A_107 = tpu.vector_load %arg9[%swap3A_105, %swap3A_106] {strides = array<i32>} : memref<128x128xf32, #tpu.memory_space<vmem>>, vector<1x16xf32>,
      %swap3A_108 = vector.shape_cast %swap3A_107 : vector<1x16xf32> to vector<16xf32>
      %swap3A_109 = vector.shape_cast %broadcast_in_dim3A_1 : vector<16xf32> to vector<1x16xf32>
      tpu.vector_store %arg9[%swap3A_105, %swap3A_106], %swap3A_109 {strides = array<i32>} : memref<128x128xf32, #tpu.memory_space<vmem>>, vector<1x16xf32>,
      %swap3A_110 = arith.index_cast %add3A_55 : i32 to index
      %swap3A_111 = arith.constant 80 : index
      %swap3A_112 = tpu.vector_load %arg10[%swap3A_110, %swap3A_111] {strides = array<i32>} : memref<128x128xf32, #tpu.memory_space<vmem>>, vector<1x16xf32>,
      %swap3A_113 = vector.shape_cast %swap3A_112 : vector<1x16xf32> to vector<16xf32>
      %swap3A_114 = vector.shape_cast %broadcast_in_dim3A_1 : vector<16xf32> to vector<1x16xf32>
      tpu.vector_store %arg10[%swap3A_110, %swap3A_111], %swap3A_114 {strides = array<i32>} : memref<128x128xf32, #tpu.memory_space<vmem>>, vector<1x16xf32>,
      %swap3A_115 = arith.index_cast %add3A_55 : i32 to index
      %swap3A_116 = arith.constant 96 : index
      %swap3A_117 = tpu.vector_load %arg9[%swap3A_115, %swap3A_116] {strides = array<i32>} : memref<128x128xf32, #tpu.memory_space<vmem>>, vector<1x16xf32>,
      %swap3A_118 = vector.shape_cast %swap3A_117 : vector<1x16xf32> to vector<16xf32>
      %swap3A_119 = vector.shape_cast %broadcast_in_dim3A_1 : vector<16xf32> to vector<1x16xf32>
      tpu.vector_store %arg9[%swap3A_115, %swap3A_116], %swap3A_119 {strides = array<i32>} : memref<128x128xf32, #tpu.memory_space<vmem>>, vector<1x16xf32>,
      %swap3A_120 = arith.index_cast %add3A_55 : i32 to index
      %swap3A_121 = arith.constant 96 : index
      %swap3A_122 = tpu.vector_load %arg10[%swap3A_120, %swap3A_121] {strides = array<i32>} : memref<128x128xf32, #tpu.memory_space<vmem>>, vector<1x16xf32>,
      %swap3A_123 = vector.shape_cast %swap3A_122 : vector<1x16xf32> to vector<16xf32>
      %swap3A_124 = vector.shape_cast %broadcast_in_dim3A_1 : vector<16xf32> to vector<1x16xf32>
      tpu.vector_store %arg10[%swap3A_120, %swap3A_121], %swap3A_124 {strides = array<i32>} : memref<128x128xf32, #tpu.memory_space<vmem>>, vector<1x16xf32>,
      %swap3A_125 = arith.index_cast %add3A_55 : i32 to index
      %swap3A_126 = arith.constant 112 : index
      %swap3A_127 = tpu.vector_load %arg9[%swap3A_125, %swap3A_126] {strides = array<i32>} : memref<128x128xf32, #tpu.memory_space<vmem>>, vector<1x16xf32>,
      %swap3A_128 = vector.shape_cast %swap3A_127 : vector<1x16xf32> to vector<16xf32>
      %swap3A_129 = vector.shape_cast %broadcast_in_dim3A_1 : vector<16xf32> to vector<1x16xf32>
      tpu.vector_store %arg9[%swap3A_125, %swap3A_126], %swap3A_129 {strides = array<i32>} : memref<128x128xf32, #tpu.memory_space<vmem>>, vector<1x16xf32>,
      %swap3A_130 = arith.index_cast %add3A_55 : i32 to index
      %swap3A_131 = arith.constant 112 : index
      %swap3A_132 = tpu.vector_load %arg10[%swap3A_130, %swap3A_131] {strides = array<i32>} : memref<128x128xf32, #tpu.memory_space<vmem>>, vector<1x16xf32>,
      %swap3A_133 = vector.shape_cast %swap3A_132 : vector<1x16xf32> to vector<16xf32>
      %swap3A_134 = vector.shape_cast %broadcast_in_dim3A_1 : vector<16xf32> to vector<1x16xf32>
      tpu.vector_store %arg10[%swap3A_130, %swap3A_131], %swap3A_134 {strides = array<i32>} : memref<128x128xf32, #tpu.memory_space<vmem>>, vector<1x16xf32>,
    }
    %scan3A_5 = arith.constant 128 : i32
    %dma_start3A = arith.constant 1280 : i32
    %dma_start3A_6 = tpu.memref_slice %arg8[%dma_start3A] : memref<1664xi32, #tpu.memory_space<vmem>> -> memref<128xi32, #tpu.memory_space<vmem>>
    %dma_start3A_7 = arith.constant 0 : i32
    %dma_start3A_8 = arith.constant 0 : i32
    %dma_start3A_9 = tpu.memref_slice %arg3[%dma_start3A_7, %dma_start3A_8] : memref<100001x128xf32, #tpu.memory_space<hbm>> -> memref<100001x128xf32, #tpu.memory_space<hbm>>
    tpu.enqueue_indirect_dma source(%dma_start3A_9 : memref<100001x128xf32, #tpu.memory_space<hbm>>) target(%arg9 : memref<128x128xf32, #tpu.memory_space<vmem>>) offsets(%dma_start3A_6 : memref<128xi32, #tpu.memory_space<vmem>>) semaphore(%arg11 : memref<!tpu.dma_semaphore, #tpu.memory_space<semaphore_mem>>) {add = true}
    %dma_start3A_10 = arith.constant 1408 : i32
    %dma_start3A_11 = tpu.memref_slice %arg8[%dma_start3A_10] : memref<1664xi32, #tpu.memory_space<vmem>> -> memref<128xi32, #tpu.memory_space<vmem>>
    %dma_start3A_12 = arith.constant 0 : i32
    %dma_start3A_13 = arith.constant 0 : i32
    %dma_start3A_14 = tpu.memref_slice %arg4[%dma_start3A_12, %dma_start3A_13] : memref<100001x128xf32, #tpu.memory_space<hbm>> -> memref<100001x128xf32, #tpu.memory_space<hbm>>
    tpu.enqueue_indirect_dma source(%dma_start3A_14 : memref<100001x128xf32, #tpu.memory_space<hbm>>) target(%arg9 : memref<128x128xf32, #tpu.memory_space<vmem>>) offsets(%dma_start3A_11 : memref<128xi32, #tpu.memory_space<vmem>>) semaphore(%arg11 : memref<!tpu.dma_semaphore, #tpu.memory_space<semaphore_mem>>) {add = true}
    %dma_start3A_15 = arith.constant 1536 : i32
    %dma_start3A_16 = tpu.memref_slice %arg8[%dma_start3A_15] : memref<1664xi32, #tpu.memory_space<vmem>> -> memref<128xi32, #tpu.memory_space<vmem>>
    %dma_start3A_17 = arith.constant 0 : i32
    %dma_start3A_18 = arith.constant 0 : i32
    %dma_start3A_19 = tpu.memref_slice %arg5[%dma_start3A_17, %dma_start3A_18] : memref<1001x128xf32, #tpu.memory_space<hbm>> -> memref<1001x128xf32, #tpu.memory_space<hbm>>
    tpu.enqueue_indirect_dma source(%dma_start3A_19 : memref<1001x128xf32, #tpu.memory_space<hbm>>) target(%arg9 : memref<128x128xf32, #tpu.memory_space<vmem>>) offsets(%dma_start3A_16 : memref<128xi32, #tpu.memory_space<vmem>>) semaphore(%arg11 : memref<!tpu.dma_semaphore, #tpu.memory_space<semaphore_mem>>) {add = true}
    %scan3A_20 = arith.constant 0 : i32
    %scan3A_21 = arith.constant 10 : i32
    %scan3A_22 = arith.addi %scan3A_20, %scan3A_21 : i32
    %scan3A_23 = arith.constant 1 : i32
    scf.for %scan3A_51 = %scan3A_20 to %scan3A_22 step %scan3A_23  : i32 {
      %mul3A_52 = arith.constant 1 : i32
      %mul3A_53 = arith.muli %scan3A_51, %mul3A_52 : i32
      %add3A_54 = arith.constant 0 : i32
      %add3A_55 = arith.addi %add3A_54, %mul3A_53 : i32
      %mul3A_56 = arith.constant 128 : i32
      %mul3A_57 = arith.muli %add3A_55, %mul3A_56 : i32
      %add3A_58 = arith.constant 0 : i32
      %add3A_59 = arith.addi %add3A_58, %mul3A_57 : i32
      %dma_start3A_60 = tpu.memref_slice %arg8[%add3A_59] : memref<1664xi32, #tpu.memory_space<vmem>> -> memref<128xi32, #tpu.memory_space<vmem>>
      %dma_start3A_61 = arith.constant 0 : i32
      %dma_start3A_62 = arith.constant 0 : i32
      %dma_start3A_63 = tpu.memref_slice %arg6[%dma_start3A_61, %dma_start3A_62] : memref<100001x128xf32, #tpu.memory_space<hbm>> -> memref<100001x128xf32, #tpu.memory_space<hbm>>
      tpu.enqueue_indirect_dma source(%dma_start3A_63 : memref<100001x128xf32, #tpu.memory_space<hbm>>) target(%arg10 : memref<128x128xf32, #tpu.memory_space<vmem>>) offsets(%dma_start3A_60 : memref<128xi32, #tpu.memory_space<vmem>>) semaphore(%arg12 : memref<!tpu.dma_semaphore, #tpu.memory_space<semaphore_mem>>) {add = true}
    }
    %scan3A_24 = arith.constant 10 : i32
    %dma_wait3A = arith.constant 1280 : i32
    %dma_wait3A_25 = tpu.memref_slice %arg8[%dma_wait3A] : memref<1664xi32, #tpu.memory_space<vmem>> -> memref<128xi32, #tpu.memory_space<vmem>>
    %dma_wait3A_26 = arith.constant 0 : i32
    %dma_wait3A_27 = arith.constant 0 : i32
    %dma_wait3A_28 = tpu.memref_slice %arg3[%dma_wait3A_26, %dma_wait3A_27] : memref<100001x128xf32, #tpu.memory_space<hbm>> -> memref<100001x128xf32, #tpu.memory_space<hbm>>
    tpu.wait_indirect_dma semaphore(%arg11 : memref<!tpu.dma_semaphore, #tpu.memory_space<semaphore_mem>>) src(%dma_wait3A_28 : memref<100001x128xf32, #tpu.memory_space<hbm>>) dst(%arg9 : memref<128x128xf32, #tpu.memory_space<vmem>>)
    %dma_wait3A_29 = arith.constant 1280 : i32
    %dma_wait3A_30 = tpu.memref_slice %arg8[%dma_wait3A_29] : memref<1664xi32, #tpu.memory_space<vmem>> -> memref<128xi32, #tpu.memory_space<vmem>>
    %dma_wait3A_31 = arith.constant 0 : i32
    %dma_wait3A_32 = arith.constant 0 : i32
    %dma_wait3A_33 = tpu.memref_slice %arg3[%dma_wait3A_31, %dma_wait3A_32] : memref<100001x128xf32, #tpu.memory_space<hbm>> -> memref<100001x128xf32, #tpu.memory_space<hbm>>
    tpu.wait_indirect_dma semaphore(%arg11 : memref<!tpu.dma_semaphore, #tpu.memory_space<semaphore_mem>>) src(%dma_wait3A_33 : memref<100001x128xf32, #tpu.memory_space<hbm>>) dst(%arg9 : memref<128x128xf32, #tpu.memory_space<vmem>>)
    %dma_wait3A_34 = arith.constant 1280 : i32
    %dma_wait3A_35 = tpu.memref_slice %arg8[%dma_wait3A_34] : memref<1664xi32, #tpu.memory_space<vmem>> -> memref<128xi32, #tpu.memory_space<vmem>>
    %dma_wait3A_36 = arith.constant 0 : i32
    %dma_wait3A_37 = arith.constant 0 : i32
    %dma_wait3A_38 = tpu.memref_slice %arg3[%dma_wait3A_36, %dma_wait3A_37] : memref<100001x128xf32, #tpu.memory_space<hbm>> -> memref<100001x128xf32, #tpu.memory_space<hbm>>
    tpu.wait_indirect_dma semaphore(%arg11 : memref<!tpu.dma_semaphore, #tpu.memory_space<semaphore_mem>>) src(%dma_wait3A_38 : memref<100001x128xf32, #tpu.memory_space<hbm>>) dst(%arg9 : memref<128x128xf32, #tpu.memory_space<vmem>>)
    %scan3A_39 = arith.constant 0 : i32
    %scan3A_40 = arith.constant 10 : i32
    %scan3A_41 = arith.addi %scan3A_39, %scan3A_40 : i32
    %scan3A_42 = arith.constant 1 : i32
    scf.for %scan3A_51 = %scan3A_39 to %scan3A_41 step %scan3A_42  : i32 {
      %mul3A_52 = arith.constant 1 : i32
      %mul3A_53 = arith.muli %scan3A_51, %mul3A_52 : i32
      %add3A_54 = arith.constant 0 : i32
      %add3A_55 = arith.addi %add3A_54, %mul3A_53 : i32
      %dma_wait3A_56 = arith.constant 0 : i32
      %dma_wait3A_57 = tpu.memref_slice %arg8[%dma_wait3A_56] : memref<1664xi32, #tpu.memory_space<vmem>> -> memref<128xi32, #tpu.memory_space<vmem>>
      %dma_wait3A_58 = arith.constant 0 : i32
      %dma_wait3A_59 = arith.constant 0 : i32
      %dma_wait3A_60 = tpu.memref_slice %arg6[%dma_wait3A_58, %dma_wait3A_59] : memref<100001x128xf32, #tpu.memory_space<hbm>> -> memref<100001x128xf32, #tpu.memory_space<hbm>>
      tpu.wait_indirect_dma semaphore(%arg12 : memref<!tpu.dma_semaphore, #tpu.memory_space<semaphore_mem>>) src(%dma_wait3A_60 : memref<100001x128xf32, #tpu.memory_space<hbm>>) dst(%arg10 : memref<128x128xf32, #tpu.memory_space<vmem>>)
    }
    %scan3A_43 = arith.constant 10 : i32
    %scan3A_44 = arith.constant 0 : i32
    %scan3A_45 = arith.constant 128 : i32
    %scan3A_46 = arith.addi %scan3A_44, %scan3A_45 : i32
    %scan3A_47 = arith.constant 1 : i32
    scf.for %scan3A_51 = %scan3A_44 to %scan3A_46 step %scan3A_47  : i32 {
      %mul3A_52 = arith.constant 1 : i32
      %mul3A_53 = arith.muli %scan3A_51, %mul3A_52 : i32
      %add3A_54 = arith.constant 0 : i32
      %add3A_55 = arith.addi %add3A_54, %mul3A_53 : i32
      %get3A = arith.index_cast %add3A_55 : i32 to index
      %get3A_56 = arith.constant 0 : index
      %get3A_57 = tpu.vector_load %arg9[%get3A, %get3A_56] {strides = array<i32>} : memref<128x128xf32, #tpu.memory_space<vmem>>, vector<1x16xf32>,
      %get3A_58 = vector.shape_cast %get3A_57 : vector<1x16xf32> to vector<16xf32>
      %get3A_59 = arith.index_cast %add3A_55 : i32 to index
      %get3A_60 = arith.constant 0 : index
      %get3A_61 = tpu.vector_load %arg10[%get3A_59, %get3A_60] {strides = array<i32>} : memref<128x128xf32, #tpu.memory_space<vmem>>, vector<1x16xf32>,
      %get3A_62 = vector.shape_cast %get3A_61 : vector<1x16xf32> to vector<16xf32>
      %mul3A_63 = arith.constant 1.000000e-01 : f32
      %mul3A_64 = vector.broadcast %mul3A_63 : f32 to vector<16xf32>
      %mul3A_65 = arith.mulf %get3A_62, %mul3A_64 : vector<16xf32>
      %add3A_66 = arith.addf %get3A_58, %mul3A_65 : vector<16xf32>
      %swap3A = arith.index_cast %add3A_55 : i32 to index
      %swap3A_67 = arith.constant 0 : index
      %swap3A_68 = tpu.vector_load %arg9[%swap3A, %swap3A_67] {strides = array<i32>} : memref<128x128xf32, #tpu.memory_space<vmem>>, vector<1x16xf32>,
      %swap3A_69 = vector.shape_cast %swap3A_68 : vector<1x16xf32> to vector<16xf32>
      %swap3A_70 = vector.shape_cast %add3A_66 : vector<16xf32> to vector<1x16xf32>
      tpu.vector_store %arg9[%swap3A, %swap3A_67], %swap3A_70 {strides = array<i32>} : memref<128x128xf32, #tpu.memory_space<vmem>>, vector<1x16xf32>,
      %get3A_71 = arith.index_cast %add3A_55 : i32 to index
      %get3A_72 = arith.constant 16 : index
      %get3A_73 = tpu.vector_load %arg9[%get3A_71, %get3A_72] {strides = array<i32>} : memref<128x128xf32, #tpu.memory_space<vmem>>, vector<1x16xf32>,
      %get3A_74 = vector.shape_cast %get3A_73 : vector<1x16xf32> to vector<16xf32>
      %get3A_75 = arith.index_cast %add3A_55 : i32 to index
      %get3A_76 = arith.constant 16 : index
      %get3A_77 = tpu.vector_load %arg10[%get3A_75, %get3A_76] {strides = array<i32>} : memref<128x128xf32, #tpu.memory_space<vmem>>, vector<1x16xf32>,
      %get3A_78 = vector.shape_cast %get3A_77 : vector<1x16xf32> to vector<16xf32>
      %mul3A_79 = arith.constant 1.000000e-01 : f32
      %mul3A_80 = vector.broadcast %mul3A_79 : f32 to vector<16xf32>
      %mul3A_81 = arith.mulf %get3A_78, %mul3A_80 : vector<16xf32>
      %add3A_82 = arith.addf %get3A_74, %mul3A_81 : vector<16xf32>
      %swap3A_83 = arith.index_cast %add3A_55 : i32 to index
      %swap3A_84 = arith.constant 16 : index
      %swap3A_85 = tpu.vector_load %arg9[%swap3A_83, %swap3A_84] {strides = array<i32>} : memref<128x128xf32, #tpu.memory_space<vmem>>, vector<1x16xf32>,
      %swap3A_86 = vector.shape_cast %swap3A_85 : vector<1x16xf32> to vector<16xf32>
      %swap3A_87 = vector.shape_cast %add3A_82 : vector<16xf32> to vector<1x16xf32>
      tpu.vector_store %arg9[%swap3A_83, %swap3A_84], %swap3A_87 {strides = array<i32>} : memref<128x128xf32, #tpu.memory_space<vmem>>, vector<1x16xf32>,
      %get3A_88 = arith.index_cast %add3A_55 : i32 to index
      %get3A_89 = arith.constant 32 : index
      %get3A_90 = tpu.vector_load %arg9[%get3A_88, %get3A_89] {strides = array<i32>} : memref<128x128xf32, #tpu.memory_space<vmem>>, vector<1x16xf32>,
      %get3A_91 = vector.shape_cast %get3A_90 : vector<1x16xf32> to vector<16xf32>
      %get3A_92 = arith.index_cast %add3A_55 : i32 to index
      %get3A_93 = arith.constant 32 : index
      %get3A_94 = tpu.vector_load %arg10[%get3A_92, %get3A_93] {strides = array<i32>} : memref<128x128xf32, #tpu.memory_space<vmem>>, vector<1x16xf32>,
      %get3A_95 = vector.shape_cast %get3A_94 : vector<1x16xf32> to vector<16xf32>
      %mul3A_96 = arith.constant 1.000000e-01 : f32
      %mul3A_97 = vector.broadcast %mul3A_96 : f32 to vector<16xf32>
      %mul3A_98 = arith.mulf %get3A_95, %mul3A_97 : vector<16xf32>
      %add3A_99 = arith.addf %get3A_91, %mul3A_98 : vector<16xf32>
      %swap3A_100 = arith.index_cast %add3A_55 : i32 to index
      %swap3A_101 = arith.constant 32 : index
      %swap3A_102 = tpu.vector_load %arg9[%swap3A_100, %swap3A_101] {strides = array<i32>} : memref<128x128xf32, #tpu.memory_space<vmem>>, vector<1x16xf32>,
      %swap3A_103 = vector.shape_cast %swap3A_102 : vector<1x16xf32> to vector<16xf32>
      %swap3A_104 = vector.shape_cast %add3A_99 : vector<16xf32> to vector<1x16xf32>
      tpu.vector_store %arg9[%swap3A_100, %swap3A_101], %swap3A_104 {strides = array<i32>} : memref<128x128xf32, #tpu.memory_space<vmem>>, vector<1x16xf32>,
      %get3A_105 = arith.index_cast %add3A_55 : i32 to index
      %get3A_106 = arith.constant 48 : index
      %get3A_107 = tpu.vector_load %arg9[%get3A_105, %get3A_106] {strides = array<i32>} : memref<128x128xf32, #tpu.memory_space<vmem>>, vector<1x16xf32>,
      %get3A_108 = vector.shape_cast %get3A_107 : vector<1x16xf32> to vector<16xf32>
      %get3A_109 = arith.index_cast %add3A_55 : i32 to index
      %get3A_110 = arith.constant 48 : index
      %get3A_111 = tpu.vector_load %arg10[%get3A_109, %get3A_110] {strides = array<i32>} : memref<128x128xf32, #tpu.memory_space<vmem>>, vector<1x16xf32>,
      %get3A_112 = vector.shape_cast %get3A_111 : vector<1x16xf32> to vector<16xf32>
      %mul3A_113 = arith.constant 1.000000e-01 : f32
      %mul3A_114 = vector.broadcast %mul3A_113 : f32 to vector<16xf32>
      %mul3A_115 = arith.mulf %get3A_112, %mul3A_114 : vector<16xf32>
      %add3A_116 = arith.addf %get3A_108, %mul3A_115 : vector<16xf32>
      %swap3A_117 = arith.index_cast %add3A_55 : i32 to index
      %swap3A_118 = arith.constant 48 : index
      %swap3A_119 = tpu.vector_load %arg9[%swap3A_117, %swap3A_118] {strides = array<i32>} : memref<128x128xf32, #tpu.memory_space<vmem>>, vector<1x16xf32>,
      %swap3A_120 = vector.shape_cast %swap3A_119 : vector<1x16xf32> to vector<16xf32>
      %swap3A_121 = vector.shape_cast %add3A_116 : vector<16xf32> to vector<1x16xf32>
      tpu.vector_store %arg9[%swap3A_117, %swap3A_118], %swap3A_121 {strides = array<i32>} : memref<128x128xf32, #tpu.memory_space<vmem>>, vector<1x16xf32>,
      %get3A_122 = arith.index_cast %add3A_55 : i32 to index
      %get3A_123 = arith.constant 64 : index
      %get3A_124 = tpu.vector_load %arg9[%get3A_122, %get3A_123] {strides = array<i32>} : memref<128x128xf32, #tpu.memory_space<vmem>>, vector<1x16xf32>,
      %get3A_125 = vector.shape_cast %get3A_124 : vector<1x16xf32> to vector<16xf32>
      %get3A_126 = arith.index_cast %add3A_55 : i32 to index
      %get3A_127 = arith.constant 64 : index
      %get3A_128 = tpu.vector_load %arg10[%get3A_126, %get3A_127] {strides = array<i32>} : memref<128x128xf32, #tpu.memory_space<vmem>>, vector<1x16xf32>,
      %get3A_129 = vector.shape_cast %get3A_128 : vector<1x16xf32> to vector<16xf32>
      %mul3A_130 = arith.constant 1.000000e-01 : f32
      %mul3A_131 = vector.broadcast %mul3A_130 : f32 to vector<16xf32>
      %mul3A_132 = arith.mulf %get3A_129, %mul3A_131 : vector<16xf32>
      %add3A_133 = arith.addf %get3A_125, %mul3A_132 : vector<16xf32>
      %swap3A_134 = arith.index_cast %add3A_55 : i32 to index
      %swap3A_135 = arith.constant 64 : index
      %swap3A_136 = tpu.vector_load %arg9[%swap3A_134, %swap3A_135] {strides = array<i32>} : memref<128x128xf32, #tpu.memory_space<vmem>>, vector<1x16xf32>,
      %swap3A_137 = vector.shape_cast %swap3A_136 : vector<1x16xf32> to vector<16xf32>
      %swap3A_138 = vector.shape_cast %add3A_133 : vector<16xf32> to vector<1x16xf32>
      tpu.vector_store %arg9[%swap3A_134, %swap3A_135], %swap3A_138 {strides = array<i32>} : memref<128x128xf32, #tpu.memory_space<vmem>>, vector<1x16xf32>,
      %get3A_139 = arith.index_cast %add3A_55 : i32 to index
      %get3A_140 = arith.constant 80 : index
      %get3A_141 = tpu.vector_load %arg9[%get3A_139, %get3A_140] {strides = array<i32>} : memref<128x128xf32, #tpu.memory_space<vmem>>, vector<1x16xf32>,
      %get3A_142 = vector.shape_cast %get3A_141 : vector<1x16xf32> to vector<16xf32>
      %get3A_143 = arith.index_cast %add3A_55 : i32 to index
      %get3A_144 = arith.constant 80 : index
      %get3A_145 = tpu.vector_load %arg10[%get3A_143, %get3A_144] {strides = array<i32>} : memref<128x128xf32, #tpu.memory_space<vmem>>, vector<1x16xf32>,
      %get3A_146 = vector.shape_cast %get3A_145 : vector<1x16xf32> to vector<16xf32>
      %mul3A_147 = arith.constant 1.000000e-01 : f32
      %mul3A_148 = vector.broadcast %mul3A_147 : f32 to vector<16xf32>
      %mul3A_149 = arith.mulf %get3A_146, %mul3A_148 : vector<16xf32>
      %add3A_150 = arith.addf %get3A_142, %mul3A_149 : vector<16xf32>
      %swap3A_151 = arith.index_cast %add3A_55 : i32 to index
      %swap3A_152 = arith.constant 80 : index
      %swap3A_153 = tpu.vector_load %arg9[%swap3A_151, %swap3A_152] {strides = array<i32>} : memref<128x128xf32, #tpu.memory_space<vmem>>, vector<1x16xf32>,
      %swap3A_154 = vector.shape_cast %swap3A_153 : vector<1x16xf32> to vector<16xf32>
      %swap3A_155 = vector.shape_cast %add3A_150 : vector<16xf32> to vector<1x16xf32>
      tpu.vector_store %arg9[%swap3A_151, %swap3A_152], %swap3A_155 {strides = array<i32>} : memref<128x128xf32, #tpu.memory_space<vmem>>, vector<1x16xf32>,
      %get3A_156 = arith.index_cast %add3A_55 : i32 to index
      %get3A_157 = arith.constant 96 : index
      %get3A_158 = tpu.vector_load %arg9[%get3A_156, %get3A_157] {strides = array<i32>} : memref<128x128xf32, #tpu.memory_space<vmem>>, vector<1x16xf32>,
      %get3A_159 = vector.shape_cast %get3A_158 : vector<1x16xf32> to vector<16xf32>
      %get3A_160 = arith.index_cast %add3A_55 : i32 to index
      %get3A_161 = arith.constant 96 : index
      %get3A_162 = tpu.vector_load %arg10[%get3A_160, %get3A_161] {strides = array<i32>} : memref<128x128xf32, #tpu.memory_space<vmem>>, vector<1x16xf32>,
      %get3A_163 = vector.shape_cast %get3A_162 : vector<1x16xf32> to vector<16xf32>
      %mul3A_164 = arith.constant 1.000000e-01 : f32
      %mul3A_165 = vector.broadcast %mul3A_164 : f32 to vector<16xf32>
      %mul3A_166 = arith.mulf %get3A_163, %mul3A_165 : vector<16xf32>
      %add3A_167 = arith.addf %get3A_159, %mul3A_166 : vector<16xf32>
      %swap3A_168 = arith.index_cast %add3A_55 : i32 to index
      %swap3A_169 = arith.constant 96 : index
      %swap3A_170 = tpu.vector_load %arg9[%swap3A_168, %swap3A_169] {strides = array<i32>} : memref<128x128xf32, #tpu.memory_space<vmem>>, vector<1x16xf32>,
      %swap3A_171 = vector.shape_cast %swap3A_170 : vector<1x16xf32> to vector<16xf32>
      %swap3A_172 = vector.shape_cast %add3A_167 : vector<16xf32> to vector<1x16xf32>
      tpu.vector_store %arg9[%swap3A_168, %swap3A_169], %swap3A_172 {strides = array<i32>} : memref<128x128xf32, #tpu.memory_space<vmem>>, vector<1x16xf32>,
      %get3A_173 = arith.index_cast %add3A_55 : i32 to index
      %get3A_174 = arith.constant 112 : index
      %get3A_175 = tpu.vector_load %arg9[%get3A_173, %get3A_174] {strides = array<i32>} : memref<128x128xf32, #tpu.memory_space<vmem>>, vector<1x16xf32>,
      %get3A_176 = vector.shape_cast %get3A_175 : vector<1x16xf32> to vector<16xf32>
      %get3A_177 = arith.index_cast %add3A_55 : i32 to index
      %get3A_178 = arith.constant 112 : index
      %get3A_179 = tpu.vector_load %arg10[%get3A_177, %get3A_178] {strides = array<i32>} : memref<128x128xf32, #tpu.memory_space<vmem>>, vector<1x16xf32>,
      %get3A_180 = vector.shape_cast %get3A_179 : vector<1x16xf32> to vector<16xf32>
      %mul3A_181 = arith.constant 1.000000e-01 : f32
      %mul3A_182 = vector.broadcast %mul3A_181 : f32 to vector<16xf32>
      %mul3A_183 = arith.mulf %get3A_180, %mul3A_182 : vector<16xf32>
      %add3A_184 = arith.addf %get3A_176, %mul3A_183 : vector<16xf32>
      %swap3A_185 = arith.index_cast %add3A_55 : i32 to index
      %swap3A_186 = arith.constant 112 : index
      %swap3A_187 = tpu.vector_load %arg9[%swap3A_185, %swap3A_186] {strides = array<i32>} : memref<128x128xf32, #tpu.memory_space<vmem>>, vector<1x16xf32>,
      %swap3A_188 = vector.shape_cast %swap3A_187 : vector<1x16xf32> to vector<16xf32>
      %swap3A_189 = vector.shape_cast %add3A_184 : vector<16xf32> to vector<1x16xf32>
      tpu.vector_store %arg9[%swap3A_185, %swap3A_186], %swap3A_189 {strides = array<i32>} : memref<128x128xf32, #tpu.memory_space<vmem>>, vector<1x16xf32>,
    }
    %scan3A_48 = arith.constant 128 : i32
    %mul3A_49 = arith.constant 128 : i32
    %mul3A_50 = arith.muli %add3A, %mul3A_49 : i32
    "tpu.region"() ({
      %run_scoped3A = tpu.sem_alloc : memref<!tpu.dma_semaphore, #tpu.memory_space<semaphore_mem>>
      %dma_start3A_51 = arith.constant 0 : i32
      %dma_start3A_52 = tpu.memref_slice %arg7[%mul3A_50, %dma_start3A_51] : memref<4096x128xf32, #tpu.memory_space<hbm>> -> memref<128x128xf32, #tpu.memory_space<hbm>>
      %dma_start3A_53 = arith.constant 0 : i32
      %dma_start3A_54 = tpu.memref_slice %arg7[%mul3A_50, %dma_start3A_53] : memref<4096x128xf32, #tpu.memory_space<hbm>> -> memref<128x128xf32, #tpu.memory_space<hbm>>
      tpu.enqueue_dma source(%arg9 : memref<128x128xf32, #tpu.memory_space<vmem>>) target(%dma_start3A_54 : memref<128x128xf32, #tpu.memory_space<hbm>>) target_semaphore(%run_scoped3A : memref<!tpu.dma_semaphore, #tpu.memory_space<semaphore_mem>>)
      %dma_wait3A_55 = arith.constant 0 : i32
      %dma_wait3A_56 = tpu.memref_slice %arg7[%mul3A_50, %dma_wait3A_55] : memref<4096x128xf32, #tpu.memory_space<hbm>> -> memref<128x128xf32, #tpu.memory_space<hbm>>
      %dma_wait3A_57 = arith.constant 0 : i32
      %dma_wait3A_58 = tpu.memref_slice %arg7[%mul3A_50, %dma_wait3A_57] : memref<4096x128xf32, #tpu.memory_space<hbm>> -> memref<128x128xf32, #tpu.memory_space<hbm>>
      tpu.wait_dma2 semaphore(%run_scoped3A : memref<!tpu.dma_semaphore, #tpu.memory_space<semaphore_mem>>) src(%arg9 : memref<128x128xf32, #tpu.memory_space<vmem>>) dst(%dma_wait3A_58 : memref<128x128xf32, #tpu.memory_space<hbm>>)
      tpu.yield
    }) : () -> ()
    return
  }
}

module attributes {stable_mosaic.version = 14 : i64} {
  func.func @_combine_body(%arg0: i32, %arg1: memref<1024x128xf32, #tpu.memory_space<vmem>>, %arg2: memref<1024x128xf32, #tpu.memory_space<vmem>>, %arg3: memref<1024x8xf32, #tpu.memory_space<vmem>>, %arg4: memref<8x64xf32, #tpu.memory_space<vmem>>, %arg5: memref<1x64xf32, #tpu.memory_space<vmem>>, %arg6: memref<64x128xf32, #tpu.memory_space<vmem>>, %arg7: memref<1x128xf32, #tpu.memory_space<vmem>>, %arg8: memref<1024x1xf32, #tpu.memory_space<vmem>>) attributes {dimension_semantics = [#tpu.dimension_semantics<arbitrary>], iteration_bounds = array<i64: 4>, scalar_prefetch = 0 : i64, scratch_operands = 0 : i64, tpu.core_type = #tpu.core_type<tc>, window_params = [{transform_indices = @transform_0, window_bounds = array<i64: 1024, 128>}, {transform_indices = @transform_1, window_bounds = array<i64: 1024, 128>}, {transform_indices = @transform_2, window_bounds = array<i64: 1024, 8>}, {pipeline_mode = #tpu.pipeline_mode<synchronous>, transform_indices = @transform_3, window_bounds = array<i64: 8, 64>}, {pipeline_mode = #tpu.pipeline_mode<synchronous>, transform_indices = @transform_4, window_bounds = array<i64: 1, 64>}, {pipeline_mode = #tpu.pipeline_mode<synchronous>, transform_indices = @transform_5, window_bounds = array<i64: 64, 128>}, {pipeline_mode = #tpu.pipeline_mode<synchronous>, transform_indices = @transform_6, window_bounds = array<i64: 1, 128>}, {transform_indices = @transform_7, window_bounds = array<i64: 1024, 1>}]} {
    %get3A = arith.constant 0 : index
    %get3A_0 = arith.constant 0 : index
    %get3A_1 = vector.load %arg3[%get3A, %get3A_0] : memref<1024x8xf32, #tpu.memory_space<vmem>>, vector<1024x8xf32>
    %get3A_2 = arith.constant 0 : index
    %get3A_3 = arith.constant 0 : index
    %get3A_4 = vector.load %arg4[%get3A_2, %get3A_3] : memref<8x64xf32, #tpu.memory_space<vmem>>, vector<8x64xf32>
    %dot_general3A = arith.constant dense<0.000000e+00> : vector<1024x64xf32>
    %dot_general3A_5 = tpu.matmul %get3A_1, %get3A_4, %dot_general3A {dimension_numbers = #tpu.dot_dimension_numbers<[1], [0], [0], [1], [0, 0, 1, 1], [], []>, transpose_lhs_hint = false} : vector<1024x8xf32>, vector<8x64xf32>, vector<1024x64xf32> -> vector<1024x64xf32>
    %get3A_6 = arith.constant 0 : index
    %get3A_7 = arith.constant 0 : index
    %get3A_8 = vector.load %arg5[%get3A_6, %get3A_7] : memref<1x64xf32, #tpu.memory_space<vmem>>, vector<1x64xf32>
    %add3A = vector.broadcast %get3A_8 : vector<1x64xf32> to vector<1024x64xf32>
    %add3A_9 = arith.addf %dot_general3A_5, %add3A : vector<1024x64xf32>
    %max3A = arith.constant 0.000000e+00 : f32
    %max3A_10 = vector.broadcast %max3A : f32 to vector<1024x64xf32>
    %max3A_11 = arith.maximumf %add3A_9, %max3A_10 : vector<1024x64xf32>
    %get3A_12 = arith.constant 0 : index
    %get3A_13 = arith.constant 0 : index
    %get3A_14 = vector.load %arg6[%get3A_12, %get3A_13] : memref<64x128xf32, #tpu.memory_space<vmem>>, vector<64x128xf32>
    %dot_general3A_15 = arith.constant dense<0.000000e+00> : vector<1024x128xf32>
    %dot_general3A_16 = tpu.matmul %max3A_11, %get3A_14, %dot_general3A_15 {dimension_numbers = #tpu.dot_dimension_numbers<[1], [0], [0], [1], [0, 0, 1, 1], [], []>, transpose_lhs_hint = false} : vector<1024x64xf32>, vector<64x128xf32>, vector<1024x128xf32> -> vector<1024x128xf32>
    %get3A_17 = arith.constant 0 : index
    %get3A_18 = arith.constant 0 : index
    %get3A_19 = vector.load %arg7[%get3A_17, %get3A_18] : memref<1x128xf32, #tpu.memory_space<vmem>>, vector<1x128xf32>
    %add3A_20 = vector.broadcast %get3A_19 : vector<1x128xf32> to vector<1024x128xf32>
    %add3A_21 = arith.addf %dot_general3A_16, %add3A_20 : vector<1024x128xf32>
    %get3A_22 = arith.constant 0 : index
    %get3A_23 = arith.constant 0 : index
    %get3A_24 = vector.load %arg1[%get3A_22, %get3A_23] : memref<1024x128xf32, #tpu.memory_space<vmem>>, vector<1024x128xf32>
    %get3A_25 = arith.constant 0 : index
    %get3A_26 = arith.constant 0 : index
    %get3A_27 = vector.load %arg2[%get3A_25, %get3A_26] : memref<1024x128xf32, #tpu.memory_space<vmem>>, vector<1024x128xf32>
    %add3A_28 = arith.addf %get3A_27, %add3A_21 : vector<1024x128xf32>
    %mul3A = arith.mulf %get3A_24, %add3A_28 : vector<1024x128xf32>
    %reduce_sum3A = arith.constant dense<0.000000e+00> : vector<1024xf32>
    %reduce_sum3A_29 = vector.multi_reduction <add>, %mul3A, %reduce_sum3A [1] : vector<1024x128xf32> to vector<1024xf32>
    %broadcast_in_dim3A = vector.shape_cast %reduce_sum3A_29 : vector<1024xf32> to vector<1024x1xf32>
    %swap3A = arith.constant 0 : index
    %swap3A_30 = arith.constant 0 : index
    %swap3A_31 = vector.load %arg8[%swap3A, %swap3A_30] : memref<1024x1xf32, #tpu.memory_space<vmem>>, vector<1024x1xf32>
    tpu.vector_store %arg8[%swap3A, %swap3A_30], %broadcast_in_dim3A {strides = array<i32>} : memref<1024x1xf32, #tpu.memory_space<vmem>>, vector<1024x1xf32>,
    return
  }
  func.func @transform_0(%arg0: i32) -> (i32, i32) {
    %c0_i32 = arith.constant 0 : i32
    %c0_i32_0 = arith.constant 0 : i32
    return %arg0, %c0_i32 : i32, i32
  }
  func.func @transform_1(%arg0: i32) -> (i32, i32) {
    %c0_i32 = arith.constant 0 : i32
    %c0_i32_0 = arith.constant 0 : i32
    return %arg0, %c0_i32 : i32, i32
  }
  func.func @transform_2(%arg0: i32) -> (i32, i32) {
    %c0_i32 = arith.constant 0 : i32
    %c0_i32_0 = arith.constant 0 : i32
    return %arg0, %c0_i32 : i32, i32
  }
  func.func @transform_3(%arg0: i32) -> (i32, i32) {
    %c0_i32 = arith.constant 0 : i32
    %c0_i32_0 = arith.constant 0 : i32
    %c0_i32_1 = arith.constant 0 : i32
    return %c0_i32, %c0_i32_0 : i32, i32
  }
  func.func @transform_4(%arg0: i32) -> (i32, i32) {
    %c0_i32 = arith.constant 0 : i32
    %c0_i32_0 = arith.constant 0 : i32
    %c0_i32_1 = arith.constant 0 : i32
    return %c0_i32, %c0_i32_0 : i32, i32
  }
  func.func @transform_5(%arg0: i32) -> (i32, i32) {
    %c0_i32 = arith.constant 0 : i32
    %c0_i32_0 = arith.constant 0 : i32
    %c0_i32_1 = arith.constant 0 : i32
    return %c0_i32, %c0_i32_0 : i32, i32
  }
  func.func @transform_6(%arg0: i32) -> (i32, i32) {
    %c0_i32 = arith.constant 0 : i32
    %c0_i32_0 = arith.constant 0 : i32
    %c0_i32_1 = arith.constant 0 : i32
    return %c0_i32, %c0_i32_0 : i32, i32
  }
  func.func @transform_7(%arg0: i32) -> (i32, i32) {
    %c0_i32 = arith.constant 0 : i32
    %c0_i32_0 = arith.constant 0 : i32
    return %arg0, %c0_i32 : i32, i32
  }
}

module attributes {stable_mosaic.version = 14 : i64} {
  func.func @_mlp_body(%arg0: i32, %arg1: memref<1024x128xf32, #tpu.memory_space<vmem>>, %arg2: memref<128x1024xf32, #tpu.memory_space<vmem>>, %arg3: memref<1x1024xf32, #tpu.memory_space<vmem>>, %arg4: memref<1024x512xf32, #tpu.memory_space<vmem>>, %arg5: memref<1x512xf32, #tpu.memory_space<vmem>>, %arg6: memref<512x256xf32, #tpu.memory_space<vmem>>, %arg7: memref<1x256xf32, #tpu.memory_space<vmem>>, %arg8: memref<256x128xf32, #tpu.memory_space<vmem>>, %arg9: memref<1x128xf32, #tpu.memory_space<vmem>>, %arg10: memref<1024x128xf32, #tpu.memory_space<vmem>>) attributes {dimension_semantics = [#tpu.dimension_semantics<arbitrary>], iteration_bounds = array<i64: 4>, scalar_prefetch = 0 : i64, scratch_operands = 0 : i64, tpu.core_type = #tpu.core_type<tc>, window_params = [{transform_indices = @transform_0, window_bounds = array<i64: 1024, 128>}, {pipeline_mode = #tpu.pipeline_mode<synchronous>, transform_indices = @transform_1, window_bounds = array<i64: 128, 1024>}, {pipeline_mode = #tpu.pipeline_mode<synchronous>, transform_indices = @transform_2, window_bounds = array<i64: 1, 1024>}, {pipeline_mode = #tpu.pipeline_mode<synchronous>, transform_indices = @transform_3, window_bounds = array<i64: 1024, 512>}, {pipeline_mode = #tpu.pipeline_mode<synchronous>, transform_indices = @transform_4, window_bounds = array<i64: 1, 512>}, {pipeline_mode = #tpu.pipeline_mode<synchronous>, transform_indices = @transform_5, window_bounds = array<i64: 512, 256>}, {pipeline_mode = #tpu.pipeline_mode<synchronous>, transform_indices = @transform_6, window_bounds = array<i64: 1, 256>}, {pipeline_mode = #tpu.pipeline_mode<synchronous>, transform_indices = @transform_7, window_bounds = array<i64: 256, 128>}, {pipeline_mode = #tpu.pipeline_mode<synchronous>, transform_indices = @transform_8, window_bounds = array<i64: 1, 128>}, {transform_indices = @transform_9, window_bounds = array<i64: 1024, 128>}]} {
    %get3A = arith.constant 0 : index
    %get3A_0 = arith.constant 0 : index
    %get3A_1 = vector.load %arg1[%get3A, %get3A_0] : memref<1024x128xf32, #tpu.memory_space<vmem>>, vector<1024x128xf32>
    %get3A_2 = arith.constant 0 : index
    %get3A_3 = arith.constant 0 : index
    %get3A_4 = vector.load %arg2[%get3A_2, %get3A_3] : memref<128x1024xf32, #tpu.memory_space<vmem>>, vector<128x1024xf32>
    %dot_general3A = arith.constant dense<0.000000e+00> : vector<1024x1024xf32>
    %dot_general3A_5 = tpu.matmul %get3A_1, %get3A_4, %dot_general3A {dimension_numbers = #tpu.dot_dimension_numbers<[1], [0], [0], [1], [0, 0, 1, 1], [], []>, transpose_lhs_hint = false} : vector<1024x128xf32>, vector<128x1024xf32>, vector<1024x1024xf32> -> vector<1024x1024xf32>
    %get3A_6 = arith.constant 0 : index
    %get3A_7 = arith.constant 0 : index
    %get3A_8 = vector.load %arg3[%get3A_6, %get3A_7] : memref<1x1024xf32, #tpu.memory_space<vmem>>, vector<1x1024xf32>
    %add3A = vector.broadcast %get3A_8 : vector<1x1024xf32> to vector<1024x1024xf32>
    %add3A_9 = arith.addf %dot_general3A_5, %add3A : vector<1024x1024xf32>
    %max3A = arith.constant 0.000000e+00 : f32
    %max3A_10 = vector.broadcast %max3A : f32 to vector<1024x1024xf32>
    %max3A_11 = arith.maximumf %add3A_9, %max3A_10 : vector<1024x1024xf32>
    %get3A_12 = arith.constant 0 : index
    %get3A_13 = arith.constant 0 : index
    %get3A_14 = vector.load %arg4[%get3A_12, %get3A_13] : memref<1024x512xf32, #tpu.memory_space<vmem>>, vector<1024x512xf32>
    %dot_general3A_15 = arith.constant dense<0.000000e+00> : vector<1024x512xf32>
    %dot_general3A_16 = tpu.matmul %max3A_11, %get3A_14, %dot_general3A_15 {dimension_numbers = #tpu.dot_dimension_numbers<[1], [0], [0], [1], [0, 0, 1, 1], [], []>, transpose_lhs_hint = false} : vector<1024x1024xf32>, vector<1024x512xf32>, vector<1024x512xf32> -> vector<1024x512xf32>
    %get3A_17 = arith.constant 0 : index
    %get3A_18 = arith.constant 0 : index
    %get3A_19 = vector.load %arg5[%get3A_17, %get3A_18] : memref<1x512xf32, #tpu.memory_space<vmem>>, vector<1x512xf32>
    %add3A_20 = vector.broadcast %get3A_19 : vector<1x512xf32> to vector<1024x512xf32>
    %add3A_21 = arith.addf %dot_general3A_16, %add3A_20 : vector<1024x512xf32>
    %max3A_22 = arith.constant 0.000000e+00 : f32
    %max3A_23 = vector.broadcast %max3A_22 : f32 to vector<1024x512xf32>
    %max3A_24 = arith.maximumf %add3A_21, %max3A_23 : vector<1024x512xf32>
    %get3A_25 = arith.constant 0 : index
    %get3A_26 = arith.constant 0 : index
    %get3A_27 = vector.load %arg6[%get3A_25, %get3A_26] : memref<512x256xf32, #tpu.memory_space<vmem>>, vector<512x256xf32>
    %dot_general3A_28 = arith.constant dense<0.000000e+00> : vector<1024x256xf32>
    %dot_general3A_29 = tpu.matmul %max3A_24, %get3A_27, %dot_general3A_28 {dimension_numbers = #tpu.dot_dimension_numbers<[1], [0], [0], [1], [0, 0, 1, 1], [], []>, transpose_lhs_hint = false} : vector<1024x512xf32>, vector<512x256xf32>, vector<1024x256xf32> -> vector<1024x256xf32>
    %get3A_30 = arith.constant 0 : index
    %get3A_31 = arith.constant 0 : index
    %get3A_32 = vector.load %arg7[%get3A_30, %get3A_31] : memref<1x256xf32, #tpu.memory_space<vmem>>, vector<1x256xf32>
    %add3A_33 = vector.broadcast %get3A_32 : vector<1x256xf32> to vector<1024x256xf32>
    %add3A_34 = arith.addf %dot_general3A_29, %add3A_33 : vector<1024x256xf32>
    %max3A_35 = arith.constant 0.000000e+00 : f32
    %max3A_36 = vector.broadcast %max3A_35 : f32 to vector<1024x256xf32>
    %max3A_37 = arith.maximumf %add3A_34, %max3A_36 : vector<1024x256xf32>
    %get3A_38 = arith.constant 0 : index
    %get3A_39 = arith.constant 0 : index
    %get3A_40 = vector.load %arg8[%get3A_38, %get3A_39] : memref<256x128xf32, #tpu.memory_space<vmem>>, vector<256x128xf32>
    %dot_general3A_41 = arith.constant dense<0.000000e+00> : vector<1024x128xf32>
    %dot_general3A_42 = tpu.matmul %max3A_37, %get3A_40, %dot_general3A_41 {dimension_numbers = #tpu.dot_dimension_numbers<[1], [0], [0], [1], [0, 0, 1, 1], [], []>, transpose_lhs_hint = false} : vector<1024x256xf32>, vector<256x128xf32>, vector<1024x128xf32> -> vector<1024x128xf32>
    %get3A_43 = arith.constant 0 : index
    %get3A_44 = arith.constant 0 : index
    %get3A_45 = vector.load %arg9[%get3A_43, %get3A_44] : memref<1x128xf32, #tpu.memory_space<vmem>>, vector<1x128xf32>
    %add3A_46 = vector.broadcast %get3A_45 : vector<1x128xf32> to vector<1024x128xf32>
    %add3A_47 = arith.addf %dot_general3A_42, %add3A_46 : vector<1024x128xf32>
    %swap3A = arith.constant 0 : index
    %swap3A_48 = arith.constant 0 : index
    %swap3A_49 = vector.load %arg10[%swap3A, %swap3A_48] : memref<1024x128xf32, #tpu.memory_space<vmem>>, vector<1024x128xf32>
    tpu.vector_store %arg10[%swap3A, %swap3A_48], %add3A_47 {strides = array<i32>} : memref<1024x128xf32, #tpu.memory_space<vmem>>, vector<1024x128xf32>,
    return
  }
  func.func @transform_0(%arg0: i32) -> (i32, i32) {
    %c0_i32 = arith.constant 0 : i32
    %c0_i32_0 = arith.constant 0 : i32
    return %arg0, %c0_i32 : i32, i32
  }
  func.func @transform_1(%arg0: i32) -> (i32, i32) {
    %c0_i32 = arith.constant 0 : i32
    %c0_i32_0 = arith.constant 0 : i32
    %c0_i32_1 = arith.constant 0 : i32
    return %c0_i32, %c0_i32_0 : i32, i32
  }
  func.func @transform_2(%arg0: i32) -> (i32, i32) {
    %c0_i32 = arith.constant 0 : i32
    %c0_i32_0 = arith.constant 0 : i32
    %c0_i32_1 = arith.constant 0 : i32
    return %c0_i32, %c0_i32_0 : i32, i32
  }
  func.func @transform_3(%arg0: i32) -> (i32, i32) {
    %c0_i32 = arith.constant 0 : i32
    %c0_i32_0 = arith.constant 0 : i32
    %c0_i32_1 = arith.constant 0 : i32
    return %c0_i32, %c0_i32_0 : i32, i32
  }
  func.func @transform_4(%arg0: i32) -> (i32, i32) {
    %c0_i32 = arith.constant 0 : i32
    %c0_i32_0 = arith.constant 0 : i32
    %c0_i32_1 = arith.constant 0 : i32
    return %c0_i32, %c0_i32_0 : i32, i32
  }
  func.func @transform_5(%arg0: i32) -> (i32, i32) {
    %c0_i32 = arith.constant 0 : i32
    %c0_i32_0 = arith.constant 0 : i32
    %c0_i32_1 = arith.constant 0 : i32
    return %c0_i32, %c0_i32_0 : i32, i32
  }
  func.func @transform_6(%arg0: i32) -> (i32, i32) {
    %c0_i32 = arith.constant 0 : i32
    %c0_i32_0 = arith.constant 0 : i32
    %c0_i32_1 = arith.constant 0 : i32
    return %c0_i32, %c0_i32_0 : i32, i32
  }
  func.func @transform_7(%arg0: i32) -> (i32, i32) {
    %c0_i32 = arith.constant 0 : i32
    %c0_i32_0 = arith.constant 0 : i32
    %c0_i32_1 = arith.constant 0 : i32
    return %c0_i32, %c0_i32_0 : i32, i32
  }
  func.func @transform_8(%arg0: i32) -> (i32, i32) {
    %c0_i32 = arith.constant 0 : i32
    %c0_i32_0 = arith.constant 0 : i32
    %c0_i32_1 = arith.constant 0 : i32
    return %c0_i32, %c0_i32_0 : i32, i32
  }
  func.func @transform_9(%arg0: i32) -> (i32, i32) {
    %c0_i32 = arith.constant 0 : i32
    %c0_i32_0 = arith.constant 0 : i32
    return %arg0, %c0_i32 : i32, i32
  }
}

</mosaic_0001>

<sc_bundles>
// kernel: kernel.6.cloned.1.call-start
scs
__scs_entry_jumppad:
0x0: {  	(pc) =	sbr.rel $0x88, $3  }
0x1: {  	(tag) =	ssettag $0x0;
	lr =	simm.s32 $0x1  }
0x2: {  	[smem:$0x3F8A] =	sst lr;
	_ =	strace $0xD0000000  }
0x3: {  	_ = 	snop  }
0x4: {  	_ = 	snop  }
0x5: {  	_ = 	snop  }
0x6: {  	_ = 	snop  }
0x7: {  	_ = 	snop  }
__scs_overlays_trampoline_lowered:
0x8: {  	[smem:$0x3F99] =	sst s0  }
0x9: {  	[smem:$0x3F9A] =	sst s1  }
0xa: {  	[smem:$0x3F9B] =	sst s2  }
0xb: {  	[smem:$0x3F9C] =	sst s3  }
0xc: {  	[smem:$0x3F9D] =	sst s4  }
0xd: {  	[smem:$0x3F9E] =	sst s5  }
0xe: {  	[smem:$0x3F9F] =	sst s6  }
0xf: {  	[smem:$0x3FA0] =	sst s7  }
0x10: {  	[smem:$0x3FA1] =	sst s8  }
0x11: {  	[smem:$0x3FA2] =	sst s9;
	s0 =	simm.s32 @!p0 $0x0  }
0x12: {  	s1 =	sld [smem:$0x3F88];
	s0 =	simm.s32 @p0 $0x1  }
0x13: {  	[smem:$0x3FA3] =	sst s0;
	s0 =	simm.s32 @!p1 $0x0  }
0x14: {  	s2 =	sld [smem:$0x3F87];
	s0 =	simm.s32 @p1 $0x1  }
0x15: {  	[smem:$0x3FA4] =	sst s0;
	s0 =	simm.s32 @!p2 $0x0  }
0x16: {  	s3 =	sld [smem:$0x3FDB];
	s0 =	simm.s32 @p2 $0x1  }
0x17: {  	s4 =	simm.s32 $0x1BF5;
	[smem:$0x3FA6] =	sst s0  }
0x18: {  	s0 =	sld [smem:$0x3F89];
	_ =	swait.ge [sflag:s4], $0x0  }
0x19: {  	s7 =	sld [smem:$0x3F8A]  }
0x1a: {  	s8 =	sadd.s32 $0xFFFFE003, lr  }
0x1b: {  	s9 =	sadd.s32 $0xFFFFFEF7, lr;
	s5 =	simm.s32 $0xFFFFFFFF;
	p2 =	slt.u32 s8, $0xFFFFF086  }
0x1c: {  	p1 =	slt.u32 s9, $0xF7A;
	s5 =	simm.s32 @!p2 $0x0  }
0x1d: {  	s5 =	simm.s32 @p1 $0x1;
	p0 =	seq.s32 s7, s2  }
0x1e: {  	s7 =	smul.u32 @!p0 $0xF7A, s2;
	p2 =	seq.s32 @!p0 s5, $0x0  }
0x1f: {  	s9 =	smul.u32 $0xF7A, s1;
	s8 =	simm.s32 @!p0 $0x1BF5;
	p2 =	por !p2, p0  }
0x20: {  	[sflag:s8] =	ssyncset.s32 @!p0 $0xFFFFF086;
	s6 =	sadd.s32 @!p0 s3, s7;
	s7 =	simm.s32 @!p0 $0x108  }
0x21: {  	s3 =	sadd.s32 s3, s9;
	s6 =	sadd.s32 @!p0 $0x88, s6;
	s7 =	simm.s32 @p2 $0x1082  }
0x22: {  	[simem:s7], [sflag:s8] =	dma.local @!p0 [hbm:s6], $0xF7A  }
0x23: {  	s9 =	sor.u32 $0xD0000000, s2;
	s6 =	simm.s32 $0x108;
	_ =	swait.ge @!p0 [sflag:s8], $0x0  }
0x24: {  	s3 =	sadd.s32 $0x88, s3;
	s6 =	simm.s32 @!p1 $0x1082;
	[sflag:s4] =	ssyncset.s32 $0xFFFFF086  }
0x25: {  	[simem:s6], [sflag:s4] =	dma.local [hbm:s3], $0xF7A  }
0x26: {  	[smem:$0x3F8A] =	sst s1;
	(tag) =	ssettag s2;
	_ =	strace s9  }
0x27: {  	s1 =	sld [smem:$0x3F9A]  }
0x28: {  	s2 =	sld [smem:$0x3F9B]  }
0x29: {  	s4 =	sld [smem:$0x3F9D]  }
0x2a: {  	p0 =	seq.s32 s5, $0x0;
	s5 =	sld [smem:$0x3F9E]  }
0x2b: {  	s6 =	sld [smem:$0x3F9F]  }
0x2c: {  	s7 =	sld [smem:$0x3FA0]  }
0x2d: {  	s3 =	simm.s32 $0x108;
	s8 =	sld [smem:$0x3FA1]  }
0x2e: {  	s3 =	simm.s32 @!p0 $0x1082;
	s9 =	sld [smem:$0x3FA2]  }
0x2f: {  	lr =	sadd.s32 s0, s3;
	s0 =	sld [smem:$0x3F99]  }
0x30: {  	s3 =	sld [smem:$0x3F9C]  }
0x31: {  	[smem:$0x3FA5] =	sst s10  }
0x32: {  	s10 =	sld [smem:$0x3FA3];
	_ =	sdelay $0x3  }
0x33: {  	p0 =	seq.s32 s10, $0x1;
	s10 =	sld [smem:$0x3FA5];
	_ =	sdelay $0x3  }
0x34: {  	[smem:$0x3FA5] =	sst s10  }
0x35: {  	s10 =	sld [smem:$0x3FA4];
	_ =	sdelay $0x3  }
0x36: {  	p1 =	seq.s32 s10, $0x1;
	s10 =	sld [smem:$0x3FA5];
	_ =	sdelay $0x3  }
0x37: {  	[smem:$0x3FA5] =	sst s10  }
0x38: {  	s10 =	sld [smem:$0x3FA6]  }
0x39: {  	_ = 	snop;
	(pc) =	sbr.ind lr, $3  }
0x3a: {  	_ = 	snop  }
0x3b: {  	_ = 	snop  }
0x3c: {  	p2 =	seq.s32 s10, $0x1;
	s10 =	sld [smem:$0x3FA5]  }
0x3d: {  	_ =	shalt  }
0x3e: {  	_ =	shalt  }
0x3f: {  	_ =	shalt  }
0x40: {  	_ =	shalt  }
0x41: {  	_ =	shalt  }
0x42: {  	_ =	shalt  }
0x43: {  	_ =	shalt  }
0x44: {  	_ =	shalt  }
0x45: {  	_ =	shalt  }
0x46: {  	_ =	shalt  }
0x47: {  	_ =	shalt  }
0x48: {  	_ =	shalt  }
0x49: {  	_ =	shalt  }
0x4a: {  	_ =	shalt  }
0x4b: {  	_ =	shalt  }
0x4c: {  	_ =	shalt  }
0x4d: {  	_ =	shalt  }
0x4e: {  	_ =	shalt  }
0x4f: {  	_ =	shalt  }
0x50: {  	_ =	shalt  }
0x51: {  	_ =	shalt  }
0x52: {  	_ =	shalt  }
0x53: {  	_ =	shalt  }
0x54: {  	_ =	shalt  }
0x55: {  	_ =	shalt  }
0x56: {  	_ =	shalt  }
0x57: {  	_ =	shalt  }
0x58: {  	_ =	shalt  }
0x59: {  	_ =	shalt  }
0x5a: {  	_ =	shalt  }
0x5b: {  	_ =	shalt  }
0x5c: {  	_ =	shalt  }
0x5d: {  	_ =	shalt  }
0x5e: {  	_ =	shalt  }
0x5f: {  	_ =	shalt  }
0x60: {  	_ =	shalt  }
0x61: {  	_ =	shalt  }
0x62: {  	_ =	shalt  }
0x63: {  	_ =	shalt  }
0x64: {  	_ =	shalt  }
0x65: {  	_ =	shalt  }
0x66: {  	_ =	shalt  }
0x67: {  	_ =	shalt  }
0x68: {  	_ =	shalt  }
0x69: {  	_ =	shalt  }
0x6a: {  	_ =	shalt  }
0x6b: {  	_ =	shalt  }
0x6c: {  	_ =	shalt  }
0x6d: {  	_ =	shalt  }
0x6e: {  	_ =	shalt  }
0x6f: {  	_ =	shalt  }
0x70: {  	_ =	shalt  }
0x71: {  	_ =	shalt  }
0x72: {  	_ =	shalt  }
0x73: {  	_ =	shalt  }
0x74: {  	_ =	shalt  }
0x75: {  	_ =	shalt  }
0x76: {  	_ =	shalt  }
0x77: {  	_ =	shalt  }
0x78: {  	_ =	shalt  }
0x79: {  	_ =	shalt  }
0x7a: {  	_ =	shalt  }
0x7b: {  	_ =	shalt  }
0x7c: {  	_ =	shalt  }
0x7d: {  	_ =	shalt  }
0x7e: {  	_ =	shalt  }
0x7f: {  	_ =	shalt  }
0x80: {  	_ =	shalt  }
0x81: {  	_ =	shalt  }
0x82: {  	_ =	shalt  }
0x83: {  	_ =	shalt  }
0x84: {  	_ =	shalt  }
0x85: {  	_ =	shalt  }
0x86: {  	_ =	shalt  }
0x87: {  	_ =	shalt  }
.Lfunc_end0:
.L_simem_size_0:
called_computation_lowered:
.L_overlay_start_0:
0x88: {  	s2 =	sld [smem:$0x3FD9]  }
0x89: {  	s3 =	sld [smem:$0x3FFE];
	_ =	sdelay $0x1  }
0x8a: {  	s1 =	srdreg.scid  }
0x8b: {  	s0 =	sand.u32 $0x1, s1  }
0x8c: {  	s17 =	sshll.u32 s0, $0xA;
	s2 =	sadd.s32 s3, s2  }
0x8d: {  	s2 =	sadd.s32 s2, s17  }
0x8e: {  	[smem:$0x3FB1] =	sst s2  }
0x8f: {  	_ = 	snop  }
0x90: {  	s2 =	sld [smem:$0x3FC2];
	(tm) =	ssettm $0x1  }
0x91: {  	s18 =	sld [smem:$0x3FFB];
	_ =	sdelay $0x3  }
0x92: {  	_ =	strace s18  }
0x93: {  	s3 =	sld [smem:$0x3FFC];
	_ =	sdelay $0x3  }
0x94: {  	_ =	strace s3  }
0x95: {  	s3 =	sld [smem:$0x3FFD];
	_ =	sdelay $0x3  }
0x96: {  	_ =	strace s3  }
0x97: {  	_ =	strace $0x8FFFFFFF  }
0x98: {  	s19 =	sld [smem:$0x3FDB];
	_ =	sdelay $0x1  }
0x99: {  	s4 =	simm.s32 $_scs_section_size  }
0x9a: {  	s5 =	simm.s32 $_size__tile_overlayer_lowered;
	s6 =	simm.s32 $_tile_overlayer_lowered  }
0x9b: {  	s22 =	simm.s32 $0x1BFF;
	s21 =	sshll.u32 s6, $0x1;
	s3 =	sadd.s32 s4, s19  }
0x9c: {  	s7 =	simm.s32 $0x0;
	s20 =	sshll.u32 s5, $0x1;
	s5 =	sadd.s32 s21, s3  }
0x9d: {  	[timem:s7], [sflag:s22] =	dma.local [hbm:s5], s20  }
0x9e: {  	_ =	swait.ge [sflag:s22], s20  }
0x9f: {  	s4 =	ssub.s32 $0x0, s20;
	[sflag:s22] =	ssyncset.done $0x0  }
0xa0: {  	[sflag:s22] =	ssyncadd.s32 s4;
	_ =	sdelay $0x1  }
0xa1: {  	s23 =	simm.s32 $0x1B8B  }
0xa2: {  	_ =	swait.ge [sflag:s23], $0x1  }
0xa3: {  	[sflag:s23] =	ssyncset.done $0x0  }
0xa4: {  	s25 =	simm.s32 $0x1B8E;
	s24 =	sld [smem:$0x3FFE];
	[sflag:s23] =	ssyncadd.s32 $0xFFFFFFFF  }
0xa5: {  	s26 =	simm.s32 $execute0_lowered;
	[smem:$0x3FD2] =	sst s25  }
0xa6: {  	s5 =	sshll.u32 s26, $0x1;
	_ =	strace $0x80000046;
	[dreg:$0x1] =	wrdreg $0xFFFFFFFF  }
0xa7: {  	s28 =	simm.s32 $_size_execute0_lowered;
	s3 =	sadd.s32 s3, s5;
	[dreg:$0x0] =	wrdreg $0x0  }
0xa8: {  	s5 =	sshll.u32 s28, $0x1;
	[dreg:$0x2] =	wrdreg s3  }
0xa9: {  	[dreg:$0x3] =	wrdreg s5  }
0xaa: {  	[dreg:$0x4] =	wrdreg $0xC0  }
0xab: {  	_ =	task [dreg:s7], $0x5FFFF  }
0xac: {  	[dreg:$0x1] =	wrdreg $0xFFFFFFFF  }
0xad: {  	[dreg:$0x0] =	wrdreg $0x60  }
0xae: {  	[dreg:$0x2] =	wrdreg s24  }
0xaf: {  	[dreg:$0x3] =	wrdreg s2  }
0xb0: {  	[dreg:$0x4] =	wrdreg $0x9  }
0xb1: {  	_ =	task.clear_ibuf [dreg:s7], $0x5FFFF;
	_ =	strace $0x90000046  }
0xb2: {  	s29 =	simm.s32 $0x9;
	_ =	strace $0x80000048  }
0xb3: {  	_ =	swait.ge [sflag:s29], $0x1  }
0xb4: {  	[sflag:s29] =	ssyncadd.s32 $0xFFFFFFFF  }
0xb5: {  	_ =	strace $0x90000048  }
0xb6: {  	_ =	sfence  }
0xb7: {  	s30 =	sld [smem:$0x0];
	_ =	sdelay $0x2  }
0xb8: {  	s31 =	sshll.u32 s1, $0xD;
	s1 =	sshrl.u32 s1, $0x2  }
0xb9: {  	s3 =	sand.u32 $0x4000, s31;
	s1 =	sadd.s32 s1, s30  }
0xba: {  	s0 =	sor.u32 s3, s0;
	s1 =	sshll.u32 s1, $0x11  }
0xbb: {  	s0 =	sor.u32 s1, s0  }
0xbc: {  	s0 =	sadd.s32 $0x8F2B, s0  }
0xbd: {  	[sflag:s0] =	ssyncadd.remote.s32 $0x1  }
0xbe: {  	_ =	sfence.sel $0xFFFF  }
0xbf: {  	[dreg:$0x0] =	wrdreg $0xFFFFFFFF;
	(pc) =	sbr.abs _section_cstart, $3  }
0xc0: {  	[dreg:$0x1] =	wrdreg $0xFFFFFFFF  }
0xc1: {  	_ =	task.clear_ibuf [dreg:s7], $0x2FFFF;
	_ =	strace $0x9FFFFFFF  }
0xc2: {  	(tm) =	ssettm $0x7FFFFFFF  }
0xc3: {  	_ =	shalt  }
tec
execute0_lowered:
.L_overlay_start_1:
0x0: {  	(tag) =	ssettag $0x1  }
0x1: {  	s0 =	srdreg.scid  }
0x2: {  	s2 =	stileid.u32;
	s4 =	rddreg [dreg:$0x0];
	s3 =	simm.s32 $0x0  }
0x3: {  	s8 =	simm.s32 $0x80;
	s9 =	simm.s32 $0x400;
	s10 =	simm.s32 $0x3  }
0x4: {  	s11 =	simm.s32 $0x1900;
	s12 =	simm.s32 $0x2300;
	s13 =	simm.s32 $0x6300  }
0x5: {  	s23 =	simm.s32 $0xA300;
	s25 =	simm.s32 $0xE300;
	s14 =	simm.s32 $0x1D80  }
0x6: {  	s15 =	simm.s32 $0x1E00;
	s16 =	simm.s32 $0x1E80;
	s17 =	simm.s32 $0x1F00  }
0x7: {  	s18 =	simm.s32 $0x1F80;
	s19 =	simm.s32 $0x2000;
	s20 =	simm.s32 $0x2080  }
0x8: {  	s21 =	simm.s32 $0x2100;
	s22 =	simm.s32 $0x2180;
	s24 =	simm.s32 $0x2200  }
0x9: {  	s26 =	simm.s32 $0x2280;
	s28 =	simm.s32 $0x1;
	s29 =	simm.s32 $0x2  }
0xa: {  	s30 =	simm.s32 $0x0;
	s0 =	sand.u32 $0x1, s0;
	s5 =	sshrl.u32 s2, $0x2  }
0xb: {  	s1 =	sshll.u32 s2, $0x1;
	s2 =	rddreg [dreg:$0x1];
	s6 =	smul.u32 $0xC800, s5  }
0xc: {  	[smem:$0x7FF] =	sst s3;
	s1 =	sor.u32 s0, s1;
	s5 =	smul.u32 $0x5000, s5  }
0xd: {  	_ =	strace $0x80000047;
	s0 =	ssub.s32 $0x2, s0;
	s7 =	sshll.u32 s1, $0x7  }
0xe: {  	s1 =	sshll.u32 s1, $0xB;
	s31 =	sshrl.u32 s0, $0x1;
	s7 =	sand.u32 $0x380, s7  }
0xf: {  	s1 =	sadd.s32 s1, s4;
	s6 =	sor.u32 s6, s7;
	s5 =	sor.u32 s5, s7  }
0x10: {  	s0 =	ssub.s32 s0, s31;
	s6 =	sshrl.u32 s6, $0x3;
	s5 =	sshrl.u32 s5, $0x3  }
0x11: {  	s7 =	smax.u32 s0, $0x1;
	s6 =	sadd.s32 s6, s4;
	s5 =	sadd.s32 s5, s4  }
0x12: {  	v0 =	vimm.f32 $0.0e+00;
	s4 =	sadd.s32 $0x5800, s6;
	s5 =	sadd.s32 $0x3000, s5;
	s6 =	sadd.s32 $0xBC00, s1  }
.LBB2_1:
0x13: {  	[tilespmem:s3], [sflag:$0x3] =	stream.strided.gather [hbm4b:s4+s8], $0x1900, s9, s8, $0x38;
	[tilespmem:$0x12300] =	vst v63  }
0x14: {  	_ =	swait.ge [sflag:s10], $0x1900  }
0x15: {  	[sflag:s10] =	ssyncset.done $0x0  }
0x16: {  	[sflag:s10] =	ssyncadd.s32 $0xFFFFE700  }
0x17: {  	[tilespmem:s11], [sflag:$0x3] =	stream.strided.gather [hbm4b:s5+s8], $0xA00, s9, s8, $0x38;
	[tilespmem:$0x12300] =	vst v63  }
0x18: {  	_ =	swait.ge [sflag:s10], $0xA00  }
0x19: {  	[sflag:s10] =	ssyncset.done $0x0  }
0x1a: {  	s1 =	simm.s32 $0x0;
	s31 =	simm.s32 $0x200;
	[sflag:s10] =	ssyncadd.s32 $0xFFFFF600  }
.LBB2_2:
0x1b: {  	p0 =	sne.s32 s31, $0xFE00;
	[tilespmem:s1+$0xE370] =	vst v0  }
0x1c: {  	[tilespmem:s1+$0x2300] =	vst v0  }
0x1d: {  	[tilespmem:s1+$0x6300] =	vst v0  }
0x1e: {  	[tilespmem:s1+$0xA300] =	vst v0  }
0x1f: {  	[tilespmem:s1+$0xE300] =	vst v0  }
0x20: {  	[tilespmem:s1+$0x2310] =	vst v0  }
0x21: {  	[tilespmem:s1+$0x6310] =	vst v0  }
0x22: {  	[tilespmem:s1+$0xA310] =	vst v0  }
0x23: {  	[tilespmem:s1+$0xE310] =	vst v0  }
0x24: {  	[tilespmem:s1+$0x2320] =	vst v0  }
0x25: {  	[tilespmem:s1+$0x6320] =	vst v0  }
0x26: {  	[tilespmem:s1+$0xA320] =	vst v0  }
0x27: {  	[tilespmem:s1+$0xE320] =	vst v0  }
0x28: {  	[tilespmem:s1+$0x2330] =	vst v0  }
0x29: {  	[tilespmem:s1+$0x6330] =	vst v0  }
0x2a: {  	[tilespmem:s1+$0xA330] =	vst v0  }
0x2b: {  	[tilespmem:s1+$0xE330] =	vst v0  }
0x2c: {  	[tilespmem:s1+$0x2340] =	vst v0  }
0x2d: {  	[tilespmem:s1+$0x6340] =	vst v0  }
0x2e: {  	[tilespmem:s1+$0xA340] =	vst v0  }
0x2f: {  	[tilespmem:s1+$0xE340] =	vst v0  }
0x30: {  	[tilespmem:s1+$0x2350] =	vst v0  }
0x31: {  	[tilespmem:s1+$0x6350] =	vst v0  }
0x32: {  	[tilespmem:s1+$0xA350] =	vst v0  }
0x33: {  	[tilespmem:s1+$0xE350] =	vst v0  }
0x34: {  	[tilespmem:s1+$0x2360] =	vst v0  }
0x35: {  	[tilespmem:s1+$0x6360] =	vst v0  }
.Ltmp0:
0x36: {  	[tilespmem:s1+$0xA360] =	vst v0;
	(pc) =	sbr.rel @p0 .LBB2_2-.Ltmp0, $4  }
0x37: {  	[tilespmem:s1+$0xE360] =	vst v0  }
0x38: {  	[tilespmem:s1+$0x2370] =	vst v0  }
0x39: {  	[tilespmem:s1+$0x6370] =	vst v0  }
0x3a: {  	[tilespmem:s1+$0xA370] =	vst v0;
	s1 =	sshra.s32 s31, $0x2;
	s31 =	sadd.s32 $0x200, s31  }
0x3b: {  	[tilespmem:s1+$0xE370] =	vst v0  }
0x3c: {  	[tilespmem:s1+$0x2300] =	vst v0  }
0x3d: {  	[tilespmem:s1+$0x6300] =	vst v0  }
0x3e: {  	[tilespmem:s1+$0xA300] =	vst v0  }
0x3f: {  	[tilespmem:s1+$0xE300] =	vst v0  }
0x40: {  	[tilespmem:s1+$0x2310] =	vst v0  }
0x41: {  	[tilespmem:s1+$0x6310] =	vst v0  }
0x42: {  	[tilespmem:s1+$0xA310] =	vst v0  }
0x43: {  	[tilespmem:s1+$0xE310] =	vst v0  }
0x44: {  	[tilespmem:s1+$0x2320] =	vst v0  }
0x45: {  	[tilespmem:s1+$0x6320] =	vst v0  }
0x46: {  	[tilespmem:s1+$0xA320] =	vst v0  }
0x47: {  	[tilespmem:s1+$0xE320] =	vst v0  }
0x48: {  	[tilespmem:s1+$0x2330] =	vst v0  }
0x49: {  	[tilespmem:s1+$0x6330] =	vst v0  }
0x4a: {  	[tilespmem:s1+$0xA330] =	vst v0  }
0x4b: {  	[tilespmem:s1+$0xE330] =	vst v0  }
0x4c: {  	[tilespmem:s1+$0x2340] =	vst v0  }
0x4d: {  	[tilespmem:s1+$0x6340] =	vst v0  }
0x4e: {  	[tilespmem:s1+$0xA340] =	vst v0  }
0x4f: {  	[tilespmem:s1+$0xE340] =	vst v0  }
0x50: {  	[tilespmem:s1+$0x2350] =	vst v0  }
0x51: {  	[tilespmem:s1+$0x6350] =	vst v0  }
0x52: {  	[tilespmem:s1+$0xA350] =	vst v0  }
0x53: {  	[tilespmem:s1+$0xE350] =	vst v0  }
0x54: {  	[tilespmem:s1+$0x2360] =	vst v0  }
0x55: {  	[tilespmem:s1+$0x6360] =	vst v0  }
0x56: {  	[tilespmem:s1+$0xA360] =	vst v0  }
0x57: {  	[tilespmem:s1+$0xE360] =	vst v0  }
0x58: {  	[tilespmem:s1+$0x2370] =	vst v0  }
0x59: {  	[tilespmem:s1+$0x6370] =	vst v0  }
0x5a: {  	[tilespmem:s1+$0xA370] =	vst v0  }
0x5b: {  	[tilespmem:s12], [sflag:$0x1] =	stream.indirect.gather.add.f32 [hbm:s2], $0x80, s3, s8, $0xb8;
	[tilespmem:$0x12300] =	vst v63  }
0x5c: {  	_ = 	snop  }
0x5d: {  	[tilespmem:s13], [sflag:$0x1] =	stream.indirect.gather.add.f32 [hbm:s2], $0x80, s8, s8, $0xb8;
	[tilespmem:$0x12300] =	vst v63  }
0x5e: {  	s0 =	simm.s32 $0x100  }
0x5f: {  	[tilespmem:s12], [sflag:$0x1] =	stream.indirect.gather.add.f32 [hbm:s2], $0x80, s0, s8, $0xb8;
	[tilespmem:$0x12300] =	vst v63  }
0x60: {  	s1 =	simm.s32 $0x180  }
0x61: {  	[tilespmem:s13], [sflag:$0x1] =	stream.indirect.gather.add.f32 [hbm:s2], $0x80, s1, s8, $0xb8;
	[tilespmem:$0x12300] =	vst v63  }
0x62: {  	s31 =	simm.s32 $0x200  }
0x63: {  	[tilespmem:s12], [sflag:$0x1] =	stream.indirect.gather.add.f32 [hbm:s2], $0x80, s31, s8, $0xb8;
	[tilespmem:$0x12300] =	vst v63  }
0x64: {  	s1 =	simm.s32 $0x280  }
0x65: {  	[tilespmem:s13], [sflag:$0x1] =	stream.indirect.gather.add.f32 [hbm:s2], $0x80, s1, s8, $0xb8;
	[tilespmem:$0x12300] =	vst v63  }
0x66: {  	s31 =	simm.s32 $0x300  }
0x67: {  	[tilespmem:s12], [sflag:$0x1] =	stream.indirect.gather.add.f32 [hbm:s2], $0x80, s31, s8, $0xb8;
	[tilespmem:$0x12300] =	vst v63  }
0x68: {  	s1 =	simm.s32 $0x380  }
0x69: {  	[tilespmem:s13], [sflag:$0x1] =	stream.indirect.gather.add.f32 [hbm:s2], $0x80, s1, s8, $0xb8;
	[tilespmem:$0x12300] =	vst v63  }
0x6a: {  	_ = 	snop  }
0x6b: {  	[tilespmem:s12], [sflag:$0x1] =	stream.indirect.gather.add.f32 [hbm:s2], $0x80, s9, s8, $0xb8;
	[tilespmem:$0x12300] =	vst v63  }
0x6c: {  	s31 =	simm.s32 $0x480  }
0x6d: {  	[tilespmem:s13], [sflag:$0x1] =	stream.indirect.gather.add.f32 [hbm:s2], $0x80, s31, s8, $0xb8;
	[tilespmem:$0x12300] =	vst v63  }
0x6e: {  	s1 =	simm.s32 $0x500  }
0x6f: {  	[tilespmem:s12], [sflag:$0x1] =	stream.indirect.gather.add.f32 [hbm:s2], $0x80, s1, s8, $0xb8;
	[tilespmem:$0x12300] =	vst v63  }
0x70: {  	s31 =	simm.s32 $0x580  }
0x71: {  	[tilespmem:s13], [sflag:$0x1] =	stream.indirect.gather.add.f32 [hbm:s2], $0x80, s31, s8, $0xb8;
	[tilespmem:$0x12300] =	vst v63  }
0x72: {  	s1 =	simm.s32 $0x600  }
0x73: {  	[tilespmem:s12], [sflag:$0x1] =	stream.indirect.gather.add.f32 [hbm:s2], $0x80, s1, s8, $0xb8;
	[tilespmem:$0x12300] =	vst v63  }
0x74: {  	s31 =	simm.s32 $0x680  }
0x75: {  	[tilespmem:s13], [sflag:$0x1] =	stream.indirect.gather.add.f32 [hbm:s2], $0x80, s31, s8, $0xb8;
	[tilespmem:$0x12300] =	vst v63  }
0x76: {  	s1 =	simm.s32 $0x700  }
0x77: {  	[tilespmem:s12], [sflag:$0x1] =	stream.indirect.gather.add.f32 [hbm:s2], $0x80, s1, s8, $0xb8;
	[tilespmem:$0x12300] =	vst v63  }
0x78: {  	s31 =	simm.s32 $0x780  }
0x79: {  	[tilespmem:s13], [sflag:$0x1] =	stream.indirect.gather.add.f32 [hbm:s2], $0x80, s31, s8, $0xb8;
	[tilespmem:$0x12300] =	vst v63  }
0x7a: {  	s1 =	simm.s32 $0x800  }
0x7b: {  	[tilespmem:s12], [sflag:$0x1] =	stream.indirect.gather.add.f32 [hbm:s2], $0x80, s1, s8, $0xb8;
	[tilespmem:$0x12300] =	vst v63  }
0x7c: {  	s31 =	simm.s32 $0x880  }
0x7d: {  	[tilespmem:s13], [sflag:$0x1] =	stream.indirect.gather.add.f32 [hbm:s2], $0x80, s31, s8, $0xb8;
	[tilespmem:$0x12300] =	vst v63  }
0x7e: {  	s1 =	simm.s32 $0x900  }
0x7f: {  	[tilespmem:s12], [sflag:$0x1] =	stream.indirect.gather.add.f32 [hbm:s2], $0x80, s1, s8, $0xb8;
	[tilespmem:$0x12300] =	vst v63  }
0x80: {  	s31 =	simm.s32 $0x980  }
0x81: {  	[tilespmem:s13], [sflag:$0x1] =	stream.indirect.gather.add.f32 [hbm:s2], $0x80, s31, s8, $0xb8;
	[tilespmem:$0x12300] =	vst v63  }
0x82: {  	s1 =	simm.s32 $0xA00  }
0x83: {  	[tilespmem:s12], [sflag:$0x1] =	stream.indirect.gather.add.f32 [hbm:s2], $0x80, s1, s8, $0xb8;
	[tilespmem:$0x12300] =	vst v63  }
0x84: {  	s31 =	simm.s32 $0xA80  }
0x85: {  	[tilespmem:s13], [sflag:$0x1] =	stream.indirect.gather.add.f32 [hbm:s2], $0x80, s31, s8, $0xb8;
	[tilespmem:$0x12300] =	vst v63  }
0x86: {  	s1 =	simm.s32 $0xB00  }
0x87: {  	[tilespmem:s12], [sflag:$0x1] =	stream.indirect.gather.add.f32 [hbm:s2], $0x80, s1, s8, $0xb8;
	[tilespmem:$0x12300] =	vst v63  }
0x88: {  	s31 =	simm.s32 $0xB80  }
0x89: {  	[tilespmem:s13], [sflag:$0x1] =	stream.indirect.gather.add.f32 [hbm:s2], $0x80, s31, s8, $0xb8;
	[tilespmem:$0x12300] =	vst v63  }
0x8a: {  	s1 =	simm.s32 $0xC00  }
0x8b: {  	[tilespmem:s12], [sflag:$0x1] =	stream.indirect.gather.add.f32 [hbm:s2], $0x80, s1, s8, $0xb8;
	[tilespmem:$0x12300] =	vst v63  }
0x8c: {  	s31 =	simm.s32 $0xC80  }
0x8d: {  	[tilespmem:s13], [sflag:$0x1] =	stream.indirect.gather.add.f32 [hbm:s2], $0x80, s31, s8, $0xb8;
	[tilespmem:$0x12300] =	vst v63  }
0x8e: {  	s1 =	simm.s32 $0xD00  }
0x8f: {  	[tilespmem:s12], [sflag:$0x1] =	stream.indirect.gather.add.f32 [hbm:s2], $0x80, s1, s8, $0xb8;
	[tilespmem:$0x12300] =	vst v63  }
0x90: {  	s31 =	simm.s32 $0xD80  }
0x91: {  	[tilespmem:s13], [sflag:$0x1] =	stream.indirect.gather.add.f32 [hbm:s2], $0x80, s31, s8, $0xb8;
	[tilespmem:$0x12300] =	vst v63  }
0x92: {  	s1 =	simm.s32 $0xE00  }
0x93: {  	[tilespmem:s12], [sflag:$0x1] =	stream.indirect.gather.add.f32 [hbm:s2], $0x80, s1, s8, $0xb8;
	[tilespmem:$0x12300] =	vst v63  }
0x94: {  	s31 =	simm.s32 $0xE80  }
0x95: {  	[tilespmem:s13], [sflag:$0x1] =	stream.indirect.gather.add.f32 [hbm:s2], $0x80, s31, s8, $0xb8;
	[tilespmem:$0x12300] =	vst v63  }
0x96: {  	s1 =	simm.s32 $0xF00  }
0x97: {  	[tilespmem:s12], [sflag:$0x1] =	stream.indirect.gather.add.f32 [hbm:s2], $0x80, s1, s8, $0xb8;
	[tilespmem:$0x12300] =	vst v63  }
0x98: {  	s31 =	simm.s32 $0xF80  }
0x99: {  	[tilespmem:s13], [sflag:$0x1] =	stream.indirect.gather.add.f32 [hbm:s2], $0x80, s31, s8, $0xb8;
	[tilespmem:$0x12300] =	vst v63  }
0x9a: {  	s1 =	simm.s32 $0x1000  }
0x9b: {  	[tilespmem:s12], [sflag:$0x1] =	stream.indirect.gather.add.f32 [hbm:s2], $0x80, s1, s8, $0xb8;
	[tilespmem:$0x12300] =	vst v63  }
0x9c: {  	s31 =	simm.s32 $0x1080  }
0x9d: {  	[tilespmem:s13], [sflag:$0x1] =	stream.indirect.gather.add.f32 [hbm:s2], $0x80, s31, s8, $0xb8;
	[tilespmem:$0x12300] =	vst v63  }
0x9e: {  	s1 =	simm.s32 $0x1100  }
0x9f: {  	[tilespmem:s12], [sflag:$0x1] =	stream.indirect.gather.add.f32 [hbm:s2], $0x80, s1, s8, $0xb8;
	[tilespmem:$0x12300] =	vst v63  }
0xa0: {  	s31 =	simm.s32 $0x1180  }
0xa1: {  	[tilespmem:s13], [sflag:$0x1] =	stream.indirect.gather.add.f32 [hbm:s2], $0x80, s31, s8, $0xb8;
	[tilespmem:$0x12300] =	vst v63  }
0xa2: {  	s1 =	simm.s32 $0x1200  }
0xa3: {  	[tilespmem:s12], [sflag:$0x1] =	stream.indirect.gather.add.f32 [hbm:s2], $0x80, s1, s8, $0xb8;
	[tilespmem:$0x12300] =	vst v63  }
0xa4: {  	s31 =	simm.s32 $0x1280  }
0xa5: {  	[tilespmem:s13], [sflag:$0x1] =	stream.indirect.gather.add.f32 [hbm:s2], $0x80, s31, s8, $0xb8;
	[tilespmem:$0x12300] =	vst v63  }
0xa6: {  	s1 =	simm.s32 $0x1300  }
0xa7: {  	[tilespmem:s12], [sflag:$0x1] =	stream.indirect.gather.add.f32 [hbm:s2], $0x80, s1, s8, $0xb8;
	[tilespmem:$0x12300] =	vst v63  }
0xa8: {  	s31 =	simm.s32 $0x1380  }
0xa9: {  	[tilespmem:s13], [sflag:$0x1] =	stream.indirect.gather.add.f32 [hbm:s2], $0x80, s31, s8, $0xb8;
	[tilespmem:$0x12300] =	vst v63  }
0xaa: {  	s1 =	simm.s32 $0x1400  }
0xab: {  	[tilespmem:s12], [sflag:$0x1] =	stream.indirect.gather.add.f32 [hbm:s2], $0x80, s1, s8, $0xb8;
	[tilespmem:$0x12300] =	vst v63  }
0xac: {  	s31 =	simm.s32 $0x1480  }
0xad: {  	[tilespmem:s13], [sflag:$0x1] =	stream.indirect.gather.add.f32 [hbm:s2], $0x80, s31, s8, $0xb8;
	[tilespmem:$0x12300] =	vst v63  }
0xae: {  	s1 =	simm.s32 $0x1500  }
0xaf: {  	[tilespmem:s12], [sflag:$0x1] =	stream.indirect.gather.add.f32 [hbm:s2], $0x80, s1, s8, $0xb8;
	[tilespmem:$0x12300] =	vst v63  }
0xb0: {  	s31 =	simm.s32 $0x1580  }
0xb1: {  	[tilespmem:s13], [sflag:$0x1] =	stream.indirect.gather.add.f32 [hbm:s2], $0x80, s31, s8, $0xb8;
	[tilespmem:$0x12300] =	vst v63  }
0xb2: {  	s1 =	simm.s32 $0x1600  }
0xb3: {  	[tilespmem:s12], [sflag:$0x1] =	stream.indirect.gather.add.f32 [hbm:s2], $0x80, s1, s8, $0xb8;
	[tilespmem:$0x12300] =	vst v63  }
0xb4: {  	s31 =	simm.s32 $0x1680  }
0xb5: {  	[tilespmem:s13], [sflag:$0x1] =	stream.indirect.gather.add.f32 [hbm:s2], $0x80, s31, s8, $0xb8;
	[tilespmem:$0x12300] =	vst v63  }
0xb6: {  	s1 =	simm.s32 $0x1700  }
0xb7: {  	[tilespmem:s12], [sflag:$0x1] =	stream.indirect.gather.add.f32 [hbm:s2], $0x80, s1, s8, $0xb8;
	[tilespmem:$0x12300] =	vst v63  }
0xb8: {  	s31 =	simm.s32 $0x1780  }
0xb9: {  	[tilespmem:s13], [sflag:$0x1] =	stream.indirect.gather.add.f32 [hbm:s2], $0x80, s31, s8, $0xb8;
	[tilespmem:$0x12300] =	vst v63  }
0xba: {  	s1 =	simm.s32 $0x1800  }
0xbb: {  	[tilespmem:s12], [sflag:$0x1] =	stream.indirect.gather.add.f32 [hbm:s2], $0x80, s1, s8, $0xb8;
	[tilespmem:$0x12300] =	vst v63  }
0xbc: {  	s31 =	simm.s32 $0x1880  }
0xbd: {  	[tilespmem:s13], [sflag:$0x1] =	stream.indirect.gather.add.f32 [hbm:s2], $0x80, s31, s8, $0xb8;
	[tilespmem:$0x12300] =	vst v63  }
0xbe: {  	_ = 	snop  }
0xbf: {  	[tilespmem:s23], [sflag:$0x2] =	stream.indirect.gather.add.f32 [hbm:s2], $0x80, s11, s8, $0xb8;
	[tilespmem:$0x12300] =	vst v63  }
0xc0: {  	s1 =	simm.s32 $0x1980  }
0xc1: {  	[tilespmem:s25], [sflag:$0x2] =	stream.indirect.gather.add.f32 [hbm:s2], $0x80, s1, s8, $0xb8;
	[tilespmem:$0x12300] =	vst v63  }
0xc2: {  	s31 =	simm.s32 $0x1A00  }
0xc3: {  	[tilespmem:s23], [sflag:$0x2] =	stream.indirect.gather.add.f32 [hbm:s2], $0x80, s31, s8, $0xb8;
	[tilespmem:$0x12300] =	vst v63  }
0xc4: {  	s1 =	simm.s32 $0x1A80  }
0xc5: {  	[tilespmem:s25], [sflag:$0x2] =	stream.indirect.gather.add.f32 [hbm:s2], $0x80, s1, s8, $0xb8;
	[tilespmem:$0x12300] =	vst v63  }
0xc6: {  	s31 =	simm.s32 $0x1B00  }
0xc7: {  	[tilespmem:s23], [sflag:$0x2] =	stream.indirect.gather.add.f32 [hbm:s2], $0x80, s31, s8, $0xb8;
	[tilespmem:$0x12300] =	vst v63  }
0xc8: {  	s1 =	simm.s32 $0x1B80  }
0xc9: {  	[tilespmem:s25], [sflag:$0x2] =	stream.indirect.gather.add.f32 [hbm:s2], $0x80, s1, s8, $0xb8;
	[tilespmem:$0x12300] =	vst v63  }
0xca: {  	s31 =	simm.s32 $0x1C00  }
0xcb: {  	[tilespmem:s23], [sflag:$0x2] =	stream.indirect.gather.add.f32 [hbm:s2], $0x80, s31, s8, $0xb8;
	[tilespmem:$0x12300] =	vst v63  }
0xcc: {  	s1 =	simm.s32 $0x1C80  }
0xcd: {  	[tilespmem:s25], [sflag:$0x2] =	stream.indirect.gather.add.f32 [hbm:s2], $0x80, s1, s8, $0xb8;
	[tilespmem:$0x12300] =	vst v63  }
0xce: {  	s31 =	simm.s32 $0x1D00  }
0xcf: {  	[tilespmem:s23], [sflag:$0x2] =	stream.indirect.gather.add.f32 [hbm:s2], $0x80, s31, s8, $0xb8;
	[tilespmem:$0x12300] =	vst v63  }
0xd0: {  	_ = 	snop  }
0xd1: {  	[tilespmem:s25], [sflag:$0x2] =	stream.indirect.gather.add.f32 [hbm:s2], $0x80, s14, s8, $0xb8;
	[tilespmem:$0x12300] =	vst v63  }
0xd2: {  	_ = 	snop  }
0xd3: {  	[tilespmem:s23], [sflag:$0x2] =	stream.indirect.gather.add.f32 [hbm:s2], $0x80, s15, s8, $0xb8;
	[tilespmem:$0x12300] =	vst v63  }
0xd4: {  	_ = 	snop  }
0xd5: {  	[tilespmem:s25], [sflag:$0x2] =	stream.indirect.gather.add.f32 [hbm:s2], $0x80, s16, s8, $0xb8;
	[tilespmem:$0x12300] =	vst v63  }
0xd6: {  	_ = 	snop  }
0xd7: {  	[tilespmem:s23], [sflag:$0x2] =	stream.indirect.gather.add.f32 [hbm:s2], $0x80, s17, s8, $0xb8;
	[tilespmem:$0x12300] =	vst v63  }
0xd8: {  	_ = 	snop  }
0xd9: {  	[tilespmem:s25], [sflag:$0x2] =	stream.indirect.gather.add.f32 [hbm:s2], $0x80, s18, s8, $0xb8;
	[tilespmem:$0x12300] =	vst v63  }
0xda: {  	_ = 	snop  }
0xdb: {  	[tilespmem:s23], [sflag:$0x2] =	stream.indirect.gather.add.f32 [hbm:s2], $0x80, s19, s8, $0xb8;
	[tilespmem:$0x12300] =	vst v63  }
0xdc: {  	_ = 	snop  }
0xdd: {  	[tilespmem:s25], [sflag:$0x2] =	stream.indirect.gather.add.f32 [hbm:s2], $0x80, s20, s8, $0xb8;
	[tilespmem:$0x12300] =	vst v63  }
0xde: {  	_ = 	snop  }
0xdf: {  	[tilespmem:s23], [sflag:$0x2] =	stream.indirect.gather.add.f32 [hbm:s2], $0x80, s21, s8, $0xb8;
	[tilespmem:$0x12300] =	vst v63  }
0xe0: {  	_ = 	snop  }
0xe1: {  	[tilespmem:s25], [sflag:$0x2] =	stream.indirect.gather.add.f32 [hbm:s2], $0x80, s22, s8, $0xb8;
	[tilespmem:$0x12300] =	vst v63  }
0xe2: {  	_ = 	snop  }
0xe3: {  	[tilespmem:s23], [sflag:$0x2] =	stream.indirect.gather.add.f32 [hbm:s2], $0x80, s24, s8, $0xb8;
	[tilespmem:$0x12300] =	vst v63  }
0xe4: {  	_ = 	snop  }
0xe5: {  	[tilespmem:s25], [sflag:$0x2] =	stream.indirect.gather.add.f32 [hbm:s2], $0x80, s26, s8, $0xb8;
	[tilespmem:$0x12300] =	vst v63  }
0xe6: {  	_ =	swait.ge [sflag:s28], $0x4000  }
0xe7: {  	s1 =	simm.s32 $0x31;
	[sflag:s28] =	ssyncset.done $0x0  }
.LBB2_4:
0xe8: {  	p0 =	sne.s32 s1, $0x1;
	s1 =	sadd.s32 $0xFFFFFFFF, s1;
	[sflag:s28] =	ssyncadd.s32 $0xFFFFC000  }
.Ltmp1:
0xe9: {  	(pc) =	sbr.rel @p0 .LBB2_4-.Ltmp1, $3  }
0xea: {  	_ =	sdelay $0x1  }
0xeb: {  	_ =	swait.ge [sflag:s28], $0x4000  }
0xec: {  	[sflag:s28] =	ssyncset.done $0x0  }
0xed: {  	[sflag:s28] =	ssyncadd.s32 $0xFFFFC000  }
0xee: {  	_ =	swait.ge [sflag:s29], $0x4000  }
0xef: {  	[sflag:s29] =	ssyncset.done $0x0  }
0xf0: {  	[sflag:s29] =	ssyncadd.s32 $0xFFFFC000  }
0xf1: {  	_ =	swait.ge [sflag:s29], $0x4000  }
0xf2: {  	[sflag:s29] =	ssyncset.done $0x0  }
0xf3: {  	[sflag:s29] =	ssyncadd.s32 $0xFFFFC000  }
0xf4: {  	_ =	swait.ge [sflag:s29], $0x4000  }
0xf5: {  	[sflag:s29] =	ssyncset.done $0x0  }
0xf6: {  	[sflag:s29] =	ssyncadd.s32 $0xFFFFC000  }
0xf7: {  	_ =	swait.ge [sflag:s29], $0x4000  }
0xf8: {  	[sflag:s29] =	ssyncset.done $0x0  }
0xf9: {  	[sflag:s29] =	ssyncadd.s32 $0xFFFFC000  }
0xfa: {  	_ =	swait.ge [sflag:s29], $0x4000  }
0xfb: {  	[sflag:s29] =	ssyncset.done $0x0  }
0xfc: {  	[sflag:s29] =	ssyncadd.s32 $0xFFFFC000  }
0xfd: {  	_ =	swait.ge [sflag:s29], $0x4000  }
0xfe: {  	[sflag:s29] =	ssyncset.done $0x0  }
0xff: {  	[sflag:s29] =	ssyncadd.s32 $0xFFFFC000  }
0x100: {  	_ =	swait.ge [sflag:s29], $0x4000  }
0x101: {  	[sflag:s29] =	ssyncset.done $0x0  }
0x102: {  	[sflag:s29] =	ssyncadd.s32 $0xFFFFC000  }
0x103: {  	_ =	swait.ge [sflag:s29], $0x4000  }
0x104: {  	[sflag:s29] =	ssyncset.done $0x0  }
0x105: {  	[sflag:s29] =	ssyncadd.s32 $0xFFFFC000  }
0x106: {  	_ =	swait.ge [sflag:s29], $0x4000  }
0x107: {  	[sflag:s29] =	ssyncset.done $0x0  }
0x108: {  	[sflag:s29] =	ssyncadd.s32 $0xFFFFC000  }
0x109: {  	_ =	swait.ge [sflag:s29], $0x4000  }
0x10a: {  	[sflag:s29] =	ssyncset.done $0x0  }
0x10b: {  	[sflag:s29] =	ssyncadd.s32 $0xFFFFC000  }
0x10c: {  	_ =	swait.ge [sflag:s29], $0x4000  }
0x10d: {  	[sflag:s29] =	ssyncset.done $0x0  }
0x10e: {  	[sflag:s29] =	ssyncadd.s32 $0xFFFFC000  }
0x10f: {  	_ =	swait.ge [sflag:s29], $0x4000  }
0x110: {  	[sflag:s29] =	ssyncset.done $0x0  }
0x111: {  	[sflag:s29] =	ssyncadd.s32 $0xFFFFC000  }
0x112: {  	_ =	swait.ge [sflag:s29], $0x4000  }
0x113: {  	[sflag:s29] =	ssyncset.done $0x0  }
0x114: {  	[sflag:s29] =	ssyncadd.s32 $0xFFFFC000  }
0x115: {  	_ =	swait.ge [sflag:s29], $0x4000  }
0x116: {  	[sflag:s29] =	ssyncset.done $0x0  }
0x117: {  	[sflag:s29] =	ssyncadd.s32 $0xFFFFC000  }
0x118: {  	_ =	swait.ge [sflag:s29], $0x4000  }
0x119: {  	[sflag:s29] =	ssyncset.done $0x0  }
0x11a: {  	[sflag:s29] =	ssyncadd.s32 $0xFFFFC000  }
0x11b: {  	_ =	swait.ge [sflag:s29], $0x4000  }
0x11c: {  	[sflag:s29] =	ssyncset.done $0x0  }
0x11d: {  	[sflag:s29] =	ssyncadd.s32 $0xFFFFC000  }
0x11e: {  	_ =	swait.ge [sflag:s29], $0x4000  }
0x11f: {  	[sflag:s29] =	ssyncset.done $0x0  }
0x120: {  	[sflag:s29] =	ssyncadd.s32 $0xFFFFC000  }
0x121: {  	_ =	swait.ge [sflag:s29], $0x4000  }
0x122: {  	[sflag:s29] =	ssyncset.done $0x0  }
0x123: {  	[sflag:s29] =	ssyncadd.s32 $0xFFFFC000  }
0x124: {  	_ =	swait.ge [sflag:s29], $0x4000  }
0x125: {  	[sflag:s29] =	ssyncset.done $0x0  }
0x126: {  	[sflag:s29] =	ssyncadd.s32 $0xFFFFC000  }
0x127: {  	_ =	swait.ge [sflag:s29], $0x4000  }
0x128: {  	[sflag:s29] =	ssyncset.done $0x0  }
0x129: {  	s31 =	simm.s32 $0x0;
	[sflag:s29] =	ssyncadd.s32 $0xFFFFC000  }
0x12a: {  	v9 =	vld [tilespmem:s31+$0x6300]  }
0x12b: {  	v7 =	vld [tilespmem:s31+$0xA300]  }
0x12c: {  	v11 =	vld [tilespmem:s31+$0xE300]  }
0x12d: {  	v16 =	vld [tilespmem:s31+$0x6310]  }
0x12e: {  	v12 =	vld [tilespmem:s31+$0xA310]  }
0x12f: {  	v13 =	vld [tilespmem:s31+$0xE310]  }
0x130: {  	v1 =	vld [tilespmem:s31+$0x6320]  }
0x131: {  	v14 =	vld [tilespmem:s31+$0xA320]  }
0x132: {  	v15 =	vld [tilespmem:s31+$0xE320]  }
0x133: {  	v2 =	vld [tilespmem:s31+$0x6330]  }
0x134: {  	v17 =	vld [tilespmem:s31+$0xA330]  }
0x135: {  	v18 =	vld [tilespmem:s31+$0xE330]  }
0x136: {  	v4 =	vld [tilespmem:s31+$0x6340]  }
0x137: {  	v20 =	vld [tilespmem:s31+$0xA340]  }
0x138: {  	v21 =	vld [tilespmem:s31+$0xE340]  }
0x139: {  	v6 =	vld [tilespmem:s31+$0x6350]  }
0x13a: {  	v22 =	vld [tilespmem:s31+$0xA350]  }
0x13b: {  	v23 =	vld [tilespmem:s31+$0xE350]  }
0x13c: {  	v5 =	vld [tilespmem:s31+$0x6360]  }
0x13d: {  	v24 =	vld [tilespmem:s31+$0xA360]  }
0x13e: {  	v25 =	vld [tilespmem:s31+$0xE360]  }
0x13f: {  	v3 =	vld [tilespmem:s31+$0x6370]  }
0x140: {  	v8 =	vld [tilespmem:s31+$0xA370]  }
0x141: {  	v26 =	vld [tilespmem:s31+$0x2300]  }
0x142: {  	v10 =	vld [tilespmem:s31+$0xE370]  }
0x143: {  	v7 =	vadd.f32 v11, v7;
	v11 =	vld [tilespmem:s31+$0x2310]  }
0x144: {  	v19 =	vld [tilespmem:s31+$0x2320];
	v12 =	vadd.f32 v13, v12;
	v27 =	vadd.f32 v15, v14  }
0x145: {  	v14 =	vld [tilespmem:s31+$0x2330];
	v28 =	vadd.f32 v18, v17;
	v29 =	vadd.f32 v21, v20  }
0x146: {  	v13 =	vld [tilespmem:s31+$0x2340];
	v20 =	vadd.f32 v23, v22;
	v22 =	vadd.f32 v9, v26;
	v15 =	vmul.f32 $5.000000070e-02, v7  }
0x147: {  	v18 =	vld [tilespmem:s31+$0x2350];
	v7 =	vadd.f32 v25, v24;
	v17 =	vmul.f32 $5.000000070e-02, v12;
	v12 =	vmul.f32 $5.000000070e-02, v27  }
0x148: {  	s1 =	simm.s32 $0x200;
	v9 =	vmul.f32 $5.000000070e-02, v29;
	v21 =	vadd.f32 v16, v11;
	v11 =	vmul.f32 $5.000000070e-02, v28;
	v16 =	vld [tilespmem:s31+$0x2360]  }
.LBB2_6:
0x149: {  	s0 =	sshra.s32 s1, $0x2;
	p0 =	sne.s32 s1, $0xFE00;
	v22 =	vmul.f32 $1.999999960e-02, v22;
	v1 =	vadd.f32 v1, v19;
	v19 =	vld [tilespmem:s31+$0x2370];
	v8 =	vadd.f32 v10, v8  }
0x14a: {  	v23 =	vld [tilespmem:s0+$0x6300];
	v10 =	vmul.f32 $1.999999960e-02, v21;
	v2 =	vadd.f32 v2, v14;
	v14 =	vmul.f32 $5.000000070e-02, v20  }
0x14b: {  	v20 =	vld [tilespmem:s0+$0xA300];
	v15 =	vadd.f32 v15, v22;
	v1 =	vmul.f32 $1.999999960e-02, v1;
	v4 =	vadd.f32 v4, v13  }
0x14c: {  	v13 =	vld [tilespmem:s0+$0xE300];
	v10 =	vadd.f32 v17, v10;
	v2 =	vmul.f32 $1.999999960e-02, v2;
	v6 =	vadd.f32 v6, v18  }
0x14d: {  	v21 =	vld [tilespmem:s0+$0x6310];
	[tilespmem:s31+$0x2300] =	vst v15;
	v1 =	vadd.f32 v12, v1;
	v4 =	vmul.f32 $1.999999960e-02, v4;
	v5 =	vadd.f32 v5, v16  }
0x14e: {  	v12 =	vld [tilespmem:s0+$0xA310];
	[tilespmem:s31+$0x2310] =	vst v10;
	v2 =	vadd.f32 v11, v2;
	v6 =	vmul.f32 $1.999999960e-02, v6;
	v3 =	vadd.f32 v3, v19  }
0x14f: {  	v7 =	vmul.f32 $5.000000070e-02, v7;
	v11 =	vld [tilespmem:s0+$0xE310];
	[tilespmem:s31+$0x2320] =	vst v1;
	v4 =	vadd.f32 v9, v4;
	v5 =	vmul.f32 $1.999999960e-02, v5  }
0x150: {  	v1 =	vld [tilespmem:s0+$0x6320];
	[tilespmem:s31+$0x2330] =	vst v2;
	v2 =	vadd.f32 v14, v6;
	v3 =	vmul.f32 $1.999999960e-02, v3;
	v6 =	vmul.f32 $5.000000070e-02, v8  }
0x151: {  	v9 =	vld [tilespmem:s0+$0xA320];
	[tilespmem:s31+$0x2340] =	vst v4;
	v4 =	vadd.f32 v7, v5  }
0x152: {  	v7 =	vld [tilespmem:s0+$0xE320];
	[tilespmem:s31+$0x2350] =	vst v2;
	v3 =	vadd.f32 v6, v3  }
0x153: {  	v2 =	vld [tilespmem:s0+$0x6330];
	[tilespmem:s31+$0x2360] =	vst v4  }
0x154: {  	v15 =	vld [tilespmem:s0+$0xA330];
	[tilespmem:s31+$0x2370] =	vst v3;
	s31 =	smov.u32 s0  }
0x155: {  	v16 =	vld [tilespmem:s31+$0xE330]  }
0x156: {  	v4 =	vld [tilespmem:s31+$0x6340]  }
0x157: {  	v17 =	vld [tilespmem:s31+$0xA340]  }
0x158: {  	v18 =	vld [tilespmem:s31+$0xE340]  }
0x159: {  	v6 =	vld [tilespmem:s31+$0x6350]  }
0x15a: {  	v22 =	vld [tilespmem:s31+$0xA350]  }
0x15b: {  	v24 =	vld [tilespmem:s31+$0xE350]  }
0x15c: {  	v5 =	vld [tilespmem:s31+$0x6360]  }
0x15d: {  	v25 =	vld [tilespmem:s31+$0xA360]  }
0x15e: {  	v26 =	vld [tilespmem:s31+$0xE360]  }
0x15f: {  	v3 =	vld [tilespmem:s31+$0x6370]  }
0x160: {  	v8 =	vld [tilespmem:s31+$0xA370]  }
0x161: {  	v10 =	vld [tilespmem:s31+$0xE370]  }
0x162: {  	v27 =	vld [tilespmem:s31+$0x2300]  }
0x163: {  	v13 =	vadd.f32 v13, v20;
	v28 =	vld [tilespmem:s31+$0x2310]  }
.Ltmp2:
0x164: {  	v11 =	vadd.f32 v11, v12;
	v9 =	vadd.f32 v7, v9;
	v19 =	vld [tilespmem:s31+$0x2320];
	(pc) =	sbr.rel @p0 .LBB2_6-.Ltmp2, $4  }
0x165: {  	v16 =	vadd.f32 v16, v15;
	v29 =	vadd.f32 v18, v17;
	v14 =	vld [tilespmem:s31+$0x2330]  }
0x166: {  	v15 =	vmul.f32 $5.000000070e-02, v13;
	v20 =	vadd.f32 v24, v22;
	v7 =	vadd.f32 v26, v25;
	v13 =	vld [tilespmem:s31+$0x2340]  }
0x167: {  	v12 =	vmul.f32 $5.000000070e-02, v9;
	v17 =	vmul.f32 $5.000000070e-02, v11;
	v22 =	vadd.f32 v23, v27;
	v18 =	vld [tilespmem:s31+$0x2350]  }
0x168: {  	s1 =	sadd.s32 $0x200, s1;
	v11 =	vmul.f32 $5.000000070e-02, v16;
	v9 =	vmul.f32 $5.000000070e-02, v29;
	v21 =	vadd.f32 v21, v28;
	v16 =	vld [tilespmem:s31+$0x2360]  }
0x169: {  	v22 =	vmul.f32 $1.999999960e-02, v22;
	v1 =	vadd.f32 v1, v19;
	v58 =	vld [tilespmem:s31+$0x2370];
	v8 =	vadd.f32 v10, v8  }
0x16a: {  	v60 =	vmul.f32 $5.000000070e-02, v20;
	v59 =	vmul.f32 $1.999999960e-02, v21;
	v2 =	vadd.f32 v2, v14  }
0x16b: {  	v15 =	vadd.f32 v15, v22;
	v1 =	vmul.f32 $1.999999960e-02, v1;
	v4 =	vadd.f32 v4, v13  }
0x16c: {  	v10 =	vadd.f32 v17, v59;
	v2 =	vmul.f32 $1.999999960e-02, v2;
	v6 =	vadd.f32 v6, v18  }
0x16d: {  	[tilespmem:s31+$0x2300] =	vst v15;
	v1 =	vadd.f32 v12, v1;
	v4 =	vmul.f32 $1.999999960e-02, v4;
	v5 =	vadd.f32 v5, v16  }
0x16e: {  	[tilespmem:s31+$0x2310] =	vst v10;
	v2 =	vadd.f32 v11, v2;
	v6 =	vmul.f32 $1.999999960e-02, v6;
	v3 =	vadd.f32 v3, v58  }
0x16f: {  	v62 =	vmul.f32 $5.000000070e-02, v7;
	[tilespmem:s31+$0x2320] =	vst v1;
	v1 =	vadd.f32 v9, v4;
	v61 =	vmul.f32 $1.999999960e-02, v5  }
0x170: {  	v63 =	vmul.f32 $5.000000070e-02, v8;
	[tilespmem:s31+$0x2330] =	vst v2;
	v2 =	vadd.f32 v60, v6;
	v3 =	vmul.f32 $1.999999960e-02, v3  }
0x171: {  	[tilespmem:s31+$0x2340] =	vst v1;
	v1 =	vadd.f32 v62, v61  }
0x172: {  	s30 =	sadd.s32 $0x1, s30;
	[tilespmem:s31+$0x2350] =	vst v2;
	v2 =	vadd.f32 v63, v3  }
0x173: {  	p0 =	sne.s32 s30, s7;
	[tilespmem:s31+$0x2360] =	vst v1  }
.Ltmp3:
0x174: {  	[tilespmem:s31+$0x2370] =	vst v2;
	(pc) =	sbr.rel @p0 .LBB2_1-.Ltmp3, $4  }
0x175: {  	[hbm4b:s6+s3] =	stream.linear.scatter [tilespmem:s12], [sflag:$0x3], $0x4000, $0x38;
	[tilespmem:$0x12300] =	vst v63  }
0x176: {  	_ =	swait.ge [sflag:s10], $0x4000  }
0x177: {  	[sflag:s10] =	ssyncset.done $0x0  }
0x178: {  	[sflag:s10] =	ssyncadd.s32 $0xFFFFC000  }
0x179: {  	_ =	sfence.sel $0x180000  }
0x17a: {  	[bflag:$0x0] =	sbarrier.arrive $0xFFFF  }
0x17b: {  	_ =	strace $0x90000047  }
0x17c: {  	s0 =	stileid.u32;
	[bflag:$0x2] =	sbarrier.arrive $0xFFFF  }
0x17d: {  	p0 =	sne.s32 s0, $0x0;
	s0 =	rddreg [dreg:$0x2]  }
0x17e: {  	s0 =	sadd.s32 @!p0 $0x100000, s0  }
0x17f: {  	[sflag:s0] =	ssyncadd.tile.s32 @!p0 $0x1;
	_ =	shalt  }
.Lfunc_end2:
_tile_overlayer_lowered:
.L_overlay_start_2:
0x180: {  	(tag) =	ssettag $0x2  }
0x181: {  	s0 =	rddreg [dreg:$0x0];
	s2 =	stileid.u32  }
0x182: {  	s1 =	rddreg [dreg:$0x1];
	p0 =	sne.s32 s2, $0x0  }
0x183: {  	s3 =	rddreg [dreg:$0x2];
	[bflag:$0x3] =	sbarrier.arrive $0xFFFF;
	s2 =	simm.s32 @!p0 $0x1C03  }
0x184: {  	[timem:s3], [sflag:s2] =	dma.local @!p0 [hbm:s0], s1  }
0x185: {  	s0 =	simm.s32 @!p0 $0x3  }
0x186: {  	_ =	swait.ge @!p0 [sflag:s0], s1  }
0x187: {  	s1 =	ssub.s32 @!p0 $0x0, s1;
	[sflag:s0] =	ssyncset.done @!p0 $0x0  }
0x188: {  	[sflag:s0] =	ssyncadd.s32 @!p0 s1  }
0x189: {  	[bflag:$0x3] =	sbarrier.arrive $0xFFFF  }
0x18a: {  	_ =	shalt  }

// kernel: kernel.9.cloned.1.call-start
scs
__scs_entry_jumppad:
0x0: {  	(pc) =	sbr.rel $0x88, $3  }
0x1: {  	(tag) =	ssettag $0x0;
	lr =	simm.s32 $0x1  }
0x2: {  	[smem:$0x3F8A] =	sst lr;
	_ =	strace $0xD0000000  }
0x3: {  	_ = 	snop  }
0x4: {  	_ = 	snop  }
0x5: {  	_ = 	snop  }
0x6: {  	_ = 	snop  }
0x7: {  	_ = 	snop  }
__scs_overlays_trampoline_lowered:
0x8: {  	[smem:$0x3F99] =	sst s0  }
0x9: {  	[smem:$0x3F9A] =	sst s1  }
0xa: {  	[smem:$0x3F9B] =	sst s2  }
0xb: {  	[smem:$0x3F9C] =	sst s3  }
0xc: {  	[smem:$0x3F9D] =	sst s4  }
0xd: {  	[smem:$0x3F9E] =	sst s5  }
0xe: {  	[smem:$0x3F9F] =	sst s6  }
0xf: {  	[smem:$0x3FA0] =	sst s7  }
0x10: {  	[smem:$0x3FA1] =	sst s8  }
0x11: {  	[smem:$0x3FA2] =	sst s9;
	s0 =	simm.s32 @!p0 $0x0  }
0x12: {  	s1 =	sld [smem:$0x3F88];
	s0 =	simm.s32 @p0 $0x1  }
0x13: {  	[smem:$0x3FA3] =	sst s0;
	s0 =	simm.s32 @!p1 $0x0  }
0x14: {  	s2 =	sld [smem:$0x3F87];
	s0 =	simm.s32 @p1 $0x1  }
0x15: {  	[smem:$0x3FA4] =	sst s0;
	s0 =	simm.s32 @!p2 $0x0  }
0x16: {  	s3 =	sld [smem:$0x3FDB];
	s0 =	simm.s32 @p2 $0x1  }
0x17: {  	s4 =	simm.s32 $0x1BF5;
	[smem:$0x3FA6] =	sst s0  }
0x18: {  	s0 =	sld [smem:$0x3F89];
	_ =	swait.ge [sflag:s4], $0x0  }
0x19: {  	s7 =	sld [smem:$0x3F8A]  }
0x1a: {  	s8 =	sadd.s32 $0xFFFFE003, lr  }
0x1b: {  	s9 =	sadd.s32 $0xFFFFFEF7, lr;
	s5 =	simm.s32 $0xFFFFFFFF;
	p2 =	slt.u32 s8, $0xFFFFF086  }
0x1c: {  	p1 =	slt.u32 s9, $0xF7A;
	s5 =	simm.s32 @!p2 $0x0  }
0x1d: {  	s5 =	simm.s32 @p1 $0x1;
	p0 =	seq.s32 s7, s2  }
0x1e: {  	s7 =	smul.u32 @!p0 $0xF7A, s2;
	p2 =	seq.s32 @!p0 s5, $0x0  }
0x1f: {  	s9 =	smul.u32 $0xF7A, s1;
	s8 =	simm.s32 @!p0 $0x1BF5;
	p2 =	por !p2, p0  }
0x20: {  	[sflag:s8] =	ssyncset.s32 @!p0 $0xFFFFF086;
	s6 =	sadd.s32 @!p0 s3, s7;
	s7 =	simm.s32 @!p0 $0x108  }
0x21: {  	s3 =	sadd.s32 s3, s9;
	s6 =	sadd.s32 @!p0 $0x88, s6;
	s7 =	simm.s32 @p2 $0x1082  }
0x22: {  	[simem:s7], [sflag:s8] =	dma.local @!p0 [hbm:s6], $0xF7A  }
0x23: {  	s9 =	sor.u32 $0xD0000000, s2;
	s6 =	simm.s32 $0x108;
	_ =	swait.ge @!p0 [sflag:s8], $0x0  }
0x24: {  	s3 =	sadd.s32 $0x88, s3;
	s6 =	simm.s32 @!p1 $0x1082;
	[sflag:s4] =	ssyncset.s32 $0xFFFFF086  }
0x25: {  	[simem:s6], [sflag:s4] =	dma.local [hbm:s3], $0xF7A  }
0x26: {  	[smem:$0x3F8A] =	sst s1;
	(tag) =	ssettag s2;
	_ =	strace s9  }
0x27: {  	s1 =	sld [smem:$0x3F9A]  }
0x28: {  	s2 =	sld [smem:$0x3F9B]  }
0x29: {  	s4 =	sld [smem:$0x3F9D]  }
0x2a: {  	p0 =	seq.s32 s5, $0x0;
	s5 =	sld [smem:$0x3F9E]  }
0x2b: {  	s6 =	sld [smem:$0x3F9F]  }
0x2c: {  	s7 =	sld [smem:$0x3FA0]  }
0x2d: {  	s3 =	simm.s32 $0x108;
	s8 =	sld [smem:$0x3FA1]  }
0x2e: {  	s3 =	simm.s32 @!p0 $0x1082;
	s9 =	sld [smem:$0x3FA2]  }
0x2f: {  	lr =	sadd.s32 s0, s3;
	s0 =	sld [smem:$0x3F99]  }
0x30: {  	s3 =	sld [smem:$0x3F9C]  }
0x31: {  	[smem:$0x3FA5] =	sst s10  }
0x32: {  	s10 =	sld [smem:$0x3FA3];
	_ =	sdelay $0x3  }
0x33: {  	p0 =	seq.s32 s10, $0x1;
	s10 =	sld [smem:$0x3FA5];
	_ =	sdelay $0x3  }
0x34: {  	[smem:$0x3FA5] =	sst s10  }
0x35: {  	s10 =	sld [smem:$0x3FA4];
	_ =	sdelay $0x3  }
0x36: {  	p1 =	seq.s32 s10, $0x1;
	s10 =	sld [smem:$0x3FA5];
	_ =	sdelay $0x3  }
0x37: {  	[smem:$0x3FA5] =	sst s10  }
0x38: {  	s10 =	sld [smem:$0x3FA6]  }
0x39: {  	_ = 	snop;
	(pc) =	sbr.ind lr, $3  }
0x3a: {  	_ = 	snop  }
0x3b: {  	_ = 	snop  }
0x3c: {  	p2 =	seq.s32 s10, $0x1;
	s10 =	sld [smem:$0x3FA5]  }
0x3d: {  	_ =	shalt  }
0x3e: {  	_ =	shalt  }
0x3f: {  	_ =	shalt  }
0x40: {  	_ =	shalt  }
0x41: {  	_ =	shalt  }
0x42: {  	_ =	shalt  }
0x43: {  	_ =	shalt  }
0x44: {  	_ =	shalt  }
0x45: {  	_ =	shalt  }
0x46: {  	_ =	shalt  }
0x47: {  	_ =	shalt  }
0x48: {  	_ =	shalt  }
0x49: {  	_ =	shalt  }
0x4a: {  	_ =	shalt  }
0x4b: {  	_ =	shalt  }
0x4c: {  	_ =	shalt  }
0x4d: {  	_ =	shalt  }
0x4e: {  	_ =	shalt  }
0x4f: {  	_ =	shalt  }
0x50: {  	_ =	shalt  }
0x51: {  	_ =	shalt  }
0x52: {  	_ =	shalt  }
0x53: {  	_ =	shalt  }
0x54: {  	_ =	shalt  }
0x55: {  	_ =	shalt  }
0x56: {  	_ =	shalt  }
0x57: {  	_ =	shalt  }
0x58: {  	_ =	shalt  }
0x59: {  	_ =	shalt  }
0x5a: {  	_ =	shalt  }
0x5b: {  	_ =	shalt  }
0x5c: {  	_ =	shalt  }
0x5d: {  	_ =	shalt  }
0x5e: {  	_ =	shalt  }
0x5f: {  	_ =	shalt  }
0x60: {  	_ =	shalt  }
0x61: {  	_ =	shalt  }
0x62: {  	_ =	shalt  }
0x63: {  	_ =	shalt  }
0x64: {  	_ =	shalt  }
0x65: {  	_ =	shalt  }
0x66: {  	_ =	shalt  }
0x67: {  	_ =	shalt  }
0x68: {  	_ =	shalt  }
0x69: {  	_ =	shalt  }
0x6a: {  	_ =	shalt  }
0x6b: {  	_ =	shalt  }
0x6c: {  	_ =	shalt  }
0x6d: {  	_ =	shalt  }
0x6e: {  	_ =	shalt  }
0x6f: {  	_ =	shalt  }
0x70: {  	_ =	shalt  }
0x71: {  	_ =	shalt  }
0x72: {  	_ =	shalt  }
0x73: {  	_ =	shalt  }
0x74: {  	_ =	shalt  }
0x75: {  	_ =	shalt  }
0x76: {  	_ =	shalt  }
0x77: {  	_ =	shalt  }
0x78: {  	_ =	shalt  }
0x79: {  	_ =	shalt  }
0x7a: {  	_ =	shalt  }
0x7b: {  	_ =	shalt  }
0x7c: {  	_ =	shalt  }
0x7d: {  	_ =	shalt  }
0x7e: {  	_ =	shalt  }
0x7f: {  	_ =	shalt  }
0x80: {  	_ =	shalt  }
0x81: {  	_ =	shalt  }
0x82: {  	_ =	shalt  }
0x83: {  	_ =	shalt  }
0x84: {  	_ =	shalt  }
0x85: {  	_ =	shalt  }
0x86: {  	_ =	shalt  }
0x87: {  	_ =	shalt  }
.Lfunc_end0:
.L_simem_size_0:
called_computation.1_lowered:
.L_overlay_start_0:
0x88: {  	s2 =	sld [smem:$0x3FD9]  }
0x89: {  	s3 =	sld [smem:$0x3FFE];
	_ =	sdelay $0x1  }
0x8a: {  	s1 =	srdreg.scid  }
0x8b: {  	s0 =	sand.u32 $0x1, s1  }
0x8c: {  	s17 =	sshll.u32 s0, $0xA;
	s2 =	sadd.s32 s3, s2  }
0x8d: {  	s2 =	sadd.s32 s2, s17  }
0x8e: {  	[smem:$0x3FB1] =	sst s2  }
0x8f: {  	_ = 	snop  }
0x90: {  	s18 =	sld [smem:$0x3FC2]  }
0x91: {  	s4 =	sld [smem:$0x3FC1]  }
0x92: {  	s5 =	sld [smem:$0x3FC0]  }
0x93: {  	s6 =	sld [smem:$0x3FBF];
	(tm) =	ssettm $0x1  }
0x94: {  	s19 =	sld [smem:$0x3FFB];
	_ =	sdelay $0x3  }
0x95: {  	_ =	strace s19  }
0x96: {  	s2 =	sld [smem:$0x3FFC];
	_ =	sdelay $0x3  }
0x97: {  	_ =	strace s2  }
0x98: {  	s2 =	sld [smem:$0x3FFD];
	_ =	sdelay $0x3  }
0x99: {  	_ =	strace s2  }
0x9a: {  	_ =	strace $0x8FFFFFFF  }
0x9b: {  	s20 =	sld [smem:$0x3FDB];
	_ =	sdelay $0x1  }
0x9c: {  	s7 =	simm.s32 $_scs_section_size  }
0x9d: {  	s8 =	simm.s32 $_size__tile_overlayer_lowered;
	s9 =	simm.s32 $_tile_overlayer_lowered  }
0x9e: {  	s10 =	simm.s32 $0x1BFF;
	s21 =	sshll.u32 s9, $0x1;
	s7 =	sadd.s32 s7, s20  }
0x9f: {  	s22 =	simm.s32 $0x0;
	s8 =	sshll.u32 s8, $0x1;
	s9 =	sadd.s32 s21, s7  }
0xa0: {  	[timem:s22], [sflag:s10] =	dma.local [hbm:s9], s8  }
0xa1: {  	_ =	swait.ge [sflag:s10], s8  }
0xa2: {  	s8 =	ssub.s32 $0x0, s8;
	[sflag:s10] =	ssyncset.done $0x0  }
0xa3: {  	[sflag:s10] =	ssyncadd.s32 s8;
	_ =	sdelay $0x1  }
0xa4: {  	s23 =	simm.s32 $0x1B8B  }
0xa5: {  	_ =	swait.ge [sflag:s23], $0x1  }
0xa6: {  	[sflag:s23] =	ssyncset.done $0x0  }
0xa7: {  	[sflag:s23] =	ssyncadd.s32 $0xFFFFFFFF  }
0xa8: {  	s8 =	sld [smem:$0x0]  }
0xa9: {  	s9 =	sand.u32 $0xFFFFFFFE, s1  }
0xaa: {  	p0 =	sne.s32 s1, s9  }
0xab: {  	s9 =	sshll.u32 @p0 s9, $0xE  }
0xac: {  	s9 =	sadd.s32 @p0 $0x11B8D, s9;
	s10 =	sshll.u32 @p0 s8, $0x11  }
0xad: {  	s9 =	sor.u32 @p0 s10, s9  }
0xae: {  	[sflag:s9] =	ssyncadd.remote.s32 @p0 $0x1;
	_ =	sdelay $0x1  }
0xaf: {  	s9 =	simm.s32 @p0 $0x1B8D  }
0xb0: {  	_ =	swait.eq @p0 [sflag:s9], $0x1  }
0xb1: {  	[sflag:s9] =	ssyncadd.s32 @p0 $0xFFFFFFFF  }
0xb2: {  	s10 =	sshll.u32 @!p0 s1, $0xE  }
0xb3: {  	s10 =	sor.u32 @!p0 $0x4000, s10;
	s9 =	simm.s32 @!p0 $0x1B8D  }
0xb4: {  	s8 =	sshll.u32 @!p0 s8, $0x11;
	s10 =	sadd.s32 @!p0 $0x11B8D, s10;
	_ =	swait.eq @!p0 [sflag:s9], $0x1  }
0xb5: {  	s8 =	sor.u32 @!p0 s8, s10;
	[sflag:s9] =	ssyncadd.s32 @!p0 $0xFFFFFFFF  }
0xb6: {  	s25 =	simm.s32 $0x1B8E;
	s24 =	sld [smem:$0x3FFE];
	[sflag:s8] =	ssyncadd.remote.s32 @!p0 $0x1  }
0xb7: {  	s26 =	simm.s32 $execute0_lowered;
	[smem:$0x3FD2] =	sst s25  }
0xb8: {  	s9 =	sshll.u32 s26, $0x1;
	_ =	strace $0x80000049;
	[dreg:$0x1] =	wrdreg $0xFFFFFFFF  }
0xb9: {  	s28 =	simm.s32 $_size_execute0_lowered;
	s7 =	sadd.s32 s7, s9;
	[dreg:$0x0] =	wrdreg $0x0  }
0xba: {  	s9 =	sshll.u32 s28, $0x1;
	[dreg:$0x2] =	wrdreg s7  }
0xbb: {  	[dreg:$0x3] =	wrdreg s9  }
0xbc: {  	[dreg:$0x4] =	wrdreg $0xC0  }
0xbd: {  	_ =	task [dreg:s22], $0x5FFFF  }
0xbe: {  	[dreg:$0x1] =	wrdreg $0xFFFFFFFF  }
0xbf: {  	[dreg:$0x0] =	wrdreg $0x60  }
0xc0: {  	[dreg:$0x2] =	wrdreg s24  }
0xc1: {  	[dreg:$0x3] =	wrdreg s18  }
0xc2: {  	[dreg:$0x4] =	wrdreg s4  }
0xc3: {  	[dreg:$0x5] =	wrdreg s5  }
0xc4: {  	[dreg:$0x6] =	wrdreg s6  }
0xc5: {  	[dreg:$0x7] =	wrdreg $0xA  }
0xc6: {  	_ =	task.clear_ibuf [dreg:s22], $0x8FFFF;
	_ =	strace $0x90000049  }
0xc7: {  	s29 =	simm.s32 $0xA;
	_ =	strace $0x8000004B  }
0xc8: {  	_ =	swait.ge [sflag:s29], $0x1  }
0xc9: {  	[sflag:s29] =	ssyncadd.s32 $0xFFFFFFFF  }
0xca: {  	_ =	strace $0x9000004B  }
0xcb: {  	_ =	sfence  }
0xcc: {  	s30 =	sld [smem:$0x0];
	_ =	sdelay $0x2  }
0xcd: {  	s31 =	sshll.u32 s1, $0xD;
	s1 =	sshrl.u32 s1, $0x2  }
0xce: {  	s4 =	sand.u32 $0x4000, s31;
	s1 =	sadd.s32 s1, s30  }
0xcf: {  	s0 =	sor.u32 s4, s0;
	s1 =	sshll.u32 s1, $0x11  }
0xd0: {  	s0 =	sor.u32 s1, s0  }
0xd1: {  	s0 =	sadd.s32 $0x8F2B, s0  }
0xd2: {  	[sflag:s0] =	ssyncadd.remote.s32 $0x1  }
0xd3: {  	_ =	sfence.sel $0xFFFF  }
0xd4: {  	[dreg:$0x0] =	wrdreg $0xFFFFFFFF;
	(pc) =	sbr.abs _section_cstart, $3  }
0xd5: {  	[dreg:$0x1] =	wrdreg $0xFFFFFFFF  }
0xd6: {  	_ =	task.clear_ibuf [dreg:s22], $0x2FFFF;
	_ =	strace $0x9FFFFFFF  }
0xd7: {  	(tm) =	ssettm $0x7FFFFFFF  }
tec
execute0_lowered:
.L_overlay_start_1:
0x0: {  	(tag) =	ssettag $0x1  }
0x1: {  	s7 =	rddreg [dreg:$0x0]  }
0x2: {  	s1 =	rddreg [dreg:$0x1]  }
0x3: {  	s2 =	rddreg [dreg:$0x2]  }
0x4: {  	s4 =	rddreg [dreg:$0x3];
	s3 =	srdreg.scid  }
0x5: {  	s0 =	stileid.u32;
	s5 =	rddreg [dreg:$0x4];
	s12 =	simm.s32 $0x3  }
0x6: {  	s13 =	simm.s32 $0x500;
	s14 =	simm.s32 $0x680;
	s15 =	simm.s32 $0x580  }
0x7: {  	s16 =	simm.s32 $0x600;
	s17 =	simm.s32 $0x4680;
	s18 =	simm.s32 $0x100  }
0x8: {  	s19 =	simm.s32 $0x180;
	s20 =	simm.s32 $0x200;
	s21 =	simm.s32 $0x280  }
0x9: {  	s22 =	simm.s32 $0x300;
	s23 =	simm.s32 $0x380;
	s24 =	simm.s32 $0x480  }
0xa: {  	s25 =	simm.s32 $0x1;
	s26 =	simm.s32 $0x2;
	s28 =	simm.s32 $0x0  }
0xb: {  	s8 =	sand.u32 $0x1, s3;
	s6 =	sshll.u32 s0, $0x1;
	s3 =	rddreg [dreg:$0x5]  }
0xc: {  	s10 =	sshrl.u32 s0, $0x2;
	s9 =	sor.u32 s8, s6;
	s6 =	simm.s32 $0x0  }
0xd: {  	s10 =	smul.u32 $0x3400, s10;
	s8 =	ssub.s32 $0x2, s8;
	s11 =	sshll.u32 s9, $0x7  }
0xe: {  	[smem:$0x7FF] =	sst s6;
	s9 =	sshll.u32 s9, $0xB;
	s11 =	sand.u32 $0x380, s11  }
0xf: {  	s31 =	sshrl.u32 s8, $0x1;
	_ =	strace $0x8000004A;
	s10 =	sor.u32 s10, s11  }
0x10: {  	s9 =	sadd.s32 s9, s7;
	s11 =	ssub.s32 s8, s31;
	s10 =	sshrl.u32 s10, $0x3  }
0x11: {  	s8 =	sadd.s32 $0x1D600, s9;
	s9 =	smax.u32 s11, $0x1;
	s10 =	sadd.s32 s10, s7  }
0x12: {  	v0 =	vimm.f32 $0.0e+00;
	s11 =	simm.s32 $0x400;
	s7 =	sadd.s32 $0x1BC00, s10;
	s10 =	simm.s32 $0x80  }
.LBB2_1:
0x13: {  	[tilespmem:s6], [sflag:$0x3] =	stream.strided.gather [hbm4b:s7+s10], $0x680, s11, s10, $0x38;
	[tilespmem:$0x8680] =	vst v63  }
0x14: {  	_ =	swait.ge [sflag:s12], $0x680  }
0x15: {  	[sflag:s12] =	ssyncset.done $0x0  }
0x16: {  	s29 =	simm.s32 $0x0;
	s30 =	simm.s32 $0x200;
	[sflag:s12] =	ssyncadd.s32 $0xFFFFF980  }
.LBB2_2:
0x17: {  	p0 =	sne.s32 s30, $0xFE00;
	[tilespmem:s29+$0x46F0] =	vst v0  }
0x18: {  	[tilespmem:s29+$0x680] =	vst v0  }
0x19: {  	[tilespmem:s29+$0x4680] =	vst v0  }
0x1a: {  	[tilespmem:s29+$0x690] =	vst v0  }
0x1b: {  	[tilespmem:s29+$0x4690] =	vst v0  }
0x1c: {  	[tilespmem:s29+$0x6A0] =	vst v0  }
0x1d: {  	[tilespmem:s29+$0x46A0] =	vst v0  }
0x1e: {  	[tilespmem:s29+$0x6B0] =	vst v0  }
0x1f: {  	[tilespmem:s29+$0x46B0] =	vst v0  }
0x20: {  	[tilespmem:s29+$0x6C0] =	vst v0  }
0x21: {  	[tilespmem:s29+$0x46C0] =	vst v0  }
.Ltmp0:
0x22: {  	[tilespmem:s29+$0x6D0] =	vst v0;
	(pc) =	sbr.rel @p0 .LBB2_2-.Ltmp0, $4  }
0x23: {  	[tilespmem:s29+$0x46D0] =	vst v0  }
0x24: {  	[tilespmem:s29+$0x6E0] =	vst v0  }
0x25: {  	[tilespmem:s29+$0x46E0] =	vst v0  }
0x26: {  	[tilespmem:s29+$0x6F0] =	vst v0;
	s29 =	sshra.s32 s30, $0x2;
	s30 =	sadd.s32 $0x200, s30  }
0x27: {  	[tilespmem:s29+$0x46F0] =	vst v0  }
0x28: {  	[tilespmem:s29+$0x680] =	vst v0  }
0x29: {  	[tilespmem:s29+$0x4680] =	vst v0  }
0x2a: {  	[tilespmem:s29+$0x690] =	vst v0  }
0x2b: {  	[tilespmem:s29+$0x4690] =	vst v0  }
0x2c: {  	[tilespmem:s29+$0x6A0] =	vst v0  }
0x2d: {  	[tilespmem:s29+$0x46A0] =	vst v0  }
0x2e: {  	[tilespmem:s29+$0x6B0] =	vst v0  }
0x2f: {  	[tilespmem:s29+$0x46B0] =	vst v0  }
0x30: {  	[tilespmem:s29+$0x6C0] =	vst v0  }
0x31: {  	[tilespmem:s29+$0x46C0] =	vst v0  }
0x32: {  	[tilespmem:s29+$0x6D0] =	vst v0  }
0x33: {  	[tilespmem:s29+$0x46D0] =	vst v0  }
0x34: {  	[tilespmem:s29+$0x6E0] =	vst v0  }
0x35: {  	[tilespmem:s29+$0x46E0] =	vst v0  }
0x36: {  	[tilespmem:s29+$0x6F0] =	vst v0  }
0x37: {  	[tilespmem:s14], [sflag:$0x1] =	stream.indirect.gather.add.f32 [hbm:s1], $0x80, s13, s10, $0xb8;
	[tilespmem:$0x8680] =	vst v63  }
0x38: {  	_ = 	snop  }
0x39: {  	[tilespmem:s14], [sflag:$0x1] =	stream.indirect.gather.add.f32 [hbm:s2], $0x80, s15, s10, $0xb8;
	[tilespmem:$0x8680] =	vst v63  }
0x3a: {  	_ = 	snop  }
0x3b: {  	[tilespmem:s14], [sflag:$0x1] =	stream.indirect.gather.add.f32 [hbm:s4], $0x80, s16, s10, $0xb8;
	[tilespmem:$0x8680] =	vst v63  }
0x3c: {  	s29 =	simm.s32 $0x0  }
0x3d: {  	[tilespmem:s17], [sflag:$0x2] =	stream.indirect.gather.add.f32 [hbm:s5], $0x80, s29, s10, $0xb8;
	[tilespmem:$0x8680] =	vst v63  }
0x3e: {  	_ = 	snop  }
0x3f: {  	[tilespmem:s17], [sflag:$0x2] =	stream.indirect.gather.add.f32 [hbm:s5], $0x80, s10, s10, $0xb8;
	[tilespmem:$0x8680] =	vst v63  }
0x40: {  	_ = 	snop  }
0x41: {  	[tilespmem:s17], [sflag:$0x2] =	stream.indirect.gather.add.f32 [hbm:s5], $0x80, s18, s10, $0xb8;
	[tilespmem:$0x8680] =	vst v63  }
0x42: {  	_ = 	snop  }
0x43: {  	[tilespmem:s17], [sflag:$0x2] =	stream.indirect.gather.add.f32 [hbm:s5], $0x80, s19, s10, $0xb8;
	[tilespmem:$0x8680] =	vst v63  }
0x44: {  	_ = 	snop  }
0x45: {  	[tilespmem:s17], [sflag:$0x2] =	stream.indirect.gather.add.f32 [hbm:s5], $0x80, s20, s10, $0xb8;
	[tilespmem:$0x8680] =	vst v63  }
0x46: {  	_ = 	snop  }
0x47: {  	[tilespmem:s17], [sflag:$0x2] =	stream.indirect.gather.add.f32 [hbm:s5], $0x80, s21, s10, $0xb8;
	[tilespmem:$0x8680] =	vst v63  }
0x48: {  	_ = 	snop  }
0x49: {  	[tilespmem:s17], [sflag:$0x2] =	stream.indirect.gather.add.f32 [hbm:s5], $0x80, s22, s10, $0xb8;
	[tilespmem:$0x8680] =	vst v63  }
0x4a: {  	_ = 	snop  }
0x4b: {  	[tilespmem:s17], [sflag:$0x2] =	stream.indirect.gather.add.f32 [hbm:s5], $0x80, s23, s10, $0xb8;
	[tilespmem:$0x8680] =	vst v63  }
0x4c: {  	_ = 	snop  }
0x4d: {  	[tilespmem:s17], [sflag:$0x2] =	stream.indirect.gather.add.f32 [hbm:s5], $0x80, s11, s10, $0xb8;
	[tilespmem:$0x8680] =	vst v63  }
0x4e: {  	_ = 	snop  }
0x4f: {  	[tilespmem:s17], [sflag:$0x2] =	stream.indirect.gather.add.f32 [hbm:s5], $0x80, s24, s10, $0xb8;
	[tilespmem:$0x8680] =	vst v63  }
0x50: {  	_ =	swait.ge [sflag:s25], $0x4000  }
0x51: {  	[sflag:s25] =	ssyncset.done $0x0  }
0x52: {  	[sflag:s25] =	ssyncadd.s32 $0xFFFFC000  }
0x53: {  	_ =	swait.ge [sflag:s25], $0x4000  }
0x54: {  	[sflag:s25] =	ssyncset.done $0x0  }
0x55: {  	[sflag:s25] =	ssyncadd.s32 $0xFFFFC000  }
0x56: {  	_ =	swait.ge [sflag:s25], $0x4000  }
0x57: {  	[sflag:s25] =	ssyncset.done $0x0  }
0x58: {  	[sflag:s25] =	ssyncadd.s32 $0xFFFFC000  }
0x59: {  	_ =	swait.ge [sflag:s26], $0x4000  }
0x5a: {  	[sflag:s26] =	ssyncset.done $0x0  }
0x5b: {  	[sflag:s26] =	ssyncadd.s32 $0xFFFFC000  }
0x5c: {  	_ =	swait.ge [sflag:s26], $0x4000  }
0x5d: {  	[sflag:s26] =	ssyncset.done $0x0  }
0x5e: {  	[sflag:s26] =	ssyncadd.s32 $0xFFFFC000  }
0x5f: {  	_ =	swait.ge [sflag:s26], $0x4000  }
0x60: {  	[sflag:s26] =	ssyncset.done $0x0  }
0x61: {  	[sflag:s26] =	ssyncadd.s32 $0xFFFFC000  }
0x62: {  	_ =	swait.ge [sflag:s26], $0x4000  }
0x63: {  	[sflag:s26] =	ssyncset.done $0x0  }
0x64: {  	[sflag:s26] =	ssyncadd.s32 $0xFFFFC000  }
0x65: {  	_ =	swait.ge [sflag:s26], $0x4000  }
0x66: {  	[sflag:s26] =	ssyncset.done $0x0  }
0x67: {  	[sflag:s26] =	ssyncadd.s32 $0xFFFFC000  }
0x68: {  	_ =	swait.ge [sflag:s26], $0x4000  }
0x69: {  	[sflag:s26] =	ssyncset.done $0x0  }
0x6a: {  	[sflag:s26] =	ssyncadd.s32 $0xFFFFC000  }
0x6b: {  	_ =	swait.ge [sflag:s26], $0x4000  }
0x6c: {  	[sflag:s26] =	ssyncset.done $0x0  }
0x6d: {  	[sflag:s26] =	ssyncadd.s32 $0xFFFFC000  }
0x6e: {  	_ =	swait.ge [sflag:s26], $0x4000  }
0x6f: {  	[sflag:s26] =	ssyncset.done $0x0  }
0x70: {  	[sflag:s26] =	ssyncadd.s32 $0xFFFFC000  }
0x71: {  	_ =	swait.ge [sflag:s26], $0x4000  }
0x72: {  	[sflag:s26] =	ssyncset.done $0x0  }
0x73: {  	[sflag:s26] =	ssyncadd.s32 $0xFFFFC000  }
0x74: {  	_ =	swait.ge [sflag:s26], $0x4000  }
0x75: {  	[sflag:s26] =	ssyncset.done $0x0  }
0x76: {  	s29 =	simm.s32 $0x0;
	[sflag:s26] =	ssyncadd.s32 $0xFFFFC000  }
0x77: {  	v7 =	vld [tilespmem:s29+$0x4680]  }
0x78: {  	v12 =	vld [tilespmem:s29+$0x4690]  }
0x79: {  	v6 =	vld [tilespmem:s29+$0x46A0]  }
0x7a: {  	v5 =	vld [tilespmem:s29+$0x46B0]  }
0x7b: {  	v4 =	vld [tilespmem:s29+$0x46C0]  }
0x7c: {  	v3 =	vld [tilespmem:s29+$0x46D0]  }
0x7d: {  	v2 =	vld [tilespmem:s29+$0x46E0]  }
0x7e: {  	v1 =	vld [tilespmem:s29+$0x46F0]  }
0x7f: {  	v11 =	vld [tilespmem:s29+$0x680]  }
0x80: {  	v10 =	vld [tilespmem:s29+$0x690]  }
0x81: {  	v9 =	vld [tilespmem:s29+$0x6A0]  }
0x82: {  	v8 =	vld [tilespmem:s29+$0x6B0];
	v13 =	vmul.f32 $1.000000010e-01, v7  }
0x83: {  	s30 =	simm.s32 $0x200;
	v12 =	vmul.f32 $1.000000010e-01, v12;
	v7 =	vld [tilespmem:s29+$0x6C0]  }
.LBB2_4:
0x84: {  	p0 =	sne.s32 s30, $0xFE00;
	v11 =	vadd.f32 v13, v11;
	v6 =	vmul.f32 $1.000000010e-01, v6;
	v13 =	vld [tilespmem:s29+$0x6D0]  }
0x85: {  	v5 =	vmul.f32 $1.000000010e-01, v5;
	v10 =	vadd.f32 v12, v10;
	v12 =	vld [tilespmem:s29+$0x6E0]  }
0x86: {  	s31 =	sshra.s32 s30, $0x2;
	v4 =	vmul.f32 $1.000000010e-01, v4;
	[tilespmem:s29+$0x680] =	vst v11;
	v6 =	vadd.f32 v6, v9;
	v9 =	vld [tilespmem:s29+$0x6F0]  }
0x87: {  	v3 =	vmul.f32 $1.000000010e-01, v3;
	v14 =	vld [tilespmem:s31+$0x4680];
	[tilespmem:s29+$0x690] =	vst v10;
	v5 =	vadd.f32 v5, v8  }
0x88: {  	v2 =	vmul.f32 $1.000000010e-01, v2;
	v15 =	vld [tilespmem:s31+$0x4690];
	[tilespmem:s29+$0x6A0] =	vst v6;
	v4 =	vadd.f32 v4, v7  }
0x89: {  	v1 =	vmul.f32 $1.000000010e-01, v1;
	v6 =	vld [tilespmem:s31+$0x46A0];
	[tilespmem:s29+$0x6B0] =	vst v5;
	v3 =	vadd.f32 v3, v13  }
0x8a: {  	v5 =	vld [tilespmem:s31+$0x46B0];
	[tilespmem:s29+$0x6C0] =	vst v4;
	v2 =	vadd.f32 v2, v12  }
0x8b: {  	v4 =	vld [tilespmem:s31+$0x46C0];
	[tilespmem:s29+$0x6D0] =	vst v3;
	v1 =	vadd.f32 v1, v9  }
0x8c: {  	v3 =	vld [tilespmem:s31+$0x46D0];
	[tilespmem:s29+$0x6E0] =	vst v2  }
0x8d: {  	v2 =	vld [tilespmem:s31+$0x46E0];
	[tilespmem:s29+$0x6F0] =	vst v1;
	s29 =	smov.u32 s31  }
0x8e: {  	v1 =	vld [tilespmem:s29+$0x46F0]  }
.Ltmp1:
0x8f: {  	v11 =	vld [tilespmem:s29+$0x680];
	(pc) =	sbr.rel @p0 .LBB2_4-.Ltmp1, $4  }
0x90: {  	v10 =	vld [tilespmem:s29+$0x690]  }
0x91: {  	v9 =	vld [tilespmem:s29+$0x6A0]  }
0x92: {  	v13 =	vmul.f32 $1.000000010e-01, v14;
	v8 =	vld [tilespmem:s29+$0x6B0]  }
0x93: {  	s30 =	sadd.s32 $0x200, s30;
	v12 =	vmul.f32 $1.000000010e-01, v15;
	v7 =	vld [tilespmem:s29+$0x6C0]  }
0x94: {  	v11 =	vadd.f32 v13, v11;
	v62 =	vld [tilespmem:s29+$0x6D0];
	v6 =	vmul.f32 $1.000000010e-01, v6  }
0x95: {  	v14 =	vld [tilespmem:s29+$0x6E0];
	v5 =	vmul.f32 $1.000000010e-01, v5;
	v10 =	vadd.f32 v12, v10  }
0x96: {  	v4 =	vmul.f32 $1.000000010e-01, v4;
	v63 =	vld [tilespmem:s29+$0x6F0];
	[tilespmem:s29+$0x680] =	vst v11;
	v6 =	vadd.f32 v6, v9  }
0x97: {  	v3 =	vmul.f32 $1.000000010e-01, v3;
	[tilespmem:s29+$0x690] =	vst v10;
	v5 =	vadd.f32 v5, v8  }
0x98: {  	v2 =	vmul.f32 $1.000000010e-01, v2;
	[tilespmem:s29+$0x6A0] =	vst v6;
	v4 =	vadd.f32 v4, v7  }
0x99: {  	v1 =	vmul.f32 $1.000000010e-01, v1;
	[tilespmem:s29+$0x6B0] =	vst v5;
	v3 =	vadd.f32 v3, v62  }
0x9a: {  	v2 =	vadd.f32 v2, v14;
	[tilespmem:s29+$0x6C0] =	vst v4  }
0x9b: {  	s28 =	sadd.s32 $0x1, s28;
	v1 =	vadd.f32 v1, v63;
	[tilespmem:s29+$0x6D0] =	vst v3  }
0x9c: {  	p0 =	sne.s32 s28, s9;
	[tilespmem:s29+$0x6E0] =	vst v2  }
.Ltmp2:
0x9d: {  	[tilespmem:s29+$0x6F0] =	vst v1;
	(pc) =	sbr.rel @p0 .LBB2_1-.Ltmp2, $4  }
0x9e: {  	[hbm4b:s8+s6] =	stream.linear.scatter [tilespmem:s14], [sflag:$0x3], $0x4000, $0x38;
	[tilespmem:$0x8680] =	vst v63  }
0x9f: {  	_ =	swait.ge [sflag:s12], $0x4000  }
0xa0: {  	[sflag:s12] =	ssyncset.done $0x0  }
0xa1: {  	[sflag:s12] =	ssyncadd.s32 $0xFFFFC000  }
0xa2: {  	_ =	sfence.sel $0x180000  }
0xa3: {  	[bflag:$0x0] =	sbarrier.arrive $0xFFFF  }
0xa4: {  	p0 =	sne.s32 s0, $0x0;
	_ =	strace $0x9000004A  }
0xa5: {  	s0 =	sadd.s32 @!p0 $0x100000, s3;
	[bflag:$0x2] =	sbarrier.arrive $0xFFFF  }
0xa6: {  	[sflag:s0] =	ssyncadd.tile.s32 @!p0 $0x1;
	_ =	shalt  }
.Lfunc_end2:
_tile_overlayer_lowered:
.L_overlay_start_2:
0xa7: {  	(tag) =	ssettag $0x2  }
0xa8: {  	s0 =	rddreg [dreg:$0x0];
	s2 =	stileid.u32  }
0xa9: {  	s1 =	rddreg [dreg:$0x1];
	p0 =	sne.s32 s2, $0x0  }
0xaa: {  	s3 =	rddreg [dreg:$0x2];
	[bflag:$0x3] =	sbarrier.arrive $0xFFFF;
	s2 =	simm.s32 @!p0 $0x1C03  }
0xab: {  	[timem:s3], [sflag:s2] =	dma.local @!p0 [hbm:s0], s1  }
0xac: {  	s0 =	simm.s32 @!p0 $0x3  }
0xad: {  	_ =	swait.ge @!p0 [sflag:s0], s1  }
0xae: {  	s1 =	ssub.s32 @!p0 $0x0, s1;
	[sflag:s0] =	ssyncset.done @!p0 $0x0  }
0xaf: {  	[sflag:s0] =	ssyncadd.s32 @!p0 s1  }
0xb0: {  	[bflag:$0x3] =	sbarrier.arrive $0xFFFF  }
0xb1: {  	_ =	shalt  }

</sc_bundles>
